<compile_context>
chip_gen: v7x
topology: tpu7x:2x2x1
jax: 0.10.2.dev20260603
libtpu: 0.0.44.dev20260713+nightly
codegen_flags: <defaults>
</compile_context>

<pallas_src>
import jax
import jax.numpy as jnp
from jax import lax
from jax.experimental import pallas as pl
from jax.experimental.pallas import tpu as pltpu
from jax.experimental.pallas import tpu_sc as plsc

N_ATOMS = 10000
N_EDGES = 320000
HIDDEN = 128
VOCAB = 28
NUM_SEGMENTS = 10000

NC = 2
NS = 16
NW = NC * NS
CHUNK = 128
N_CH = N_EDGES // CHUNK
CH_PER_W = N_CH // NW
N_TAIL = N_CH - CH_PER_W * NW
CH_ALL = CH_PER_W + 1
E_REG = CH_PER_W * CHUNK
E_PAD = CH_ALL * CHUNK
C_PAD = 10240
CYC_BLOCKS = C_PAD // 128
HIST_SP = VOCAB * C_PAD
PAD_SLOT = NUM_SEGMENTS
ZSLICE = HIST_SP // NS


def _sc_body(x_hbm, a2c_hbm, hist_hbm,
             x_v, ed_v, fidx_v, ones_v, zer_v, hist_s,
             sem_in, sem_r2, sem_sc):
    c = lax.axis_index("c")
    s = lax.axis_index("s")
    w = c * NS + s
    tail_ch = CH_PER_W * NW + (w & 3)

    cp_x = pltpu.async_copy(x_hbm, x_v, sem_in)
    cp_r = pltpu.async_copy(
        a2c_hbm.at[:, pl.ds(pl.multiple_of(w * E_REG, CHUNK), E_REG)],
        ed_v.at[:, pl.ds(0, E_REG)], sem_in)
    cp_t = pltpu.async_copy(
        a2c_hbm.at[:, pl.ds(pl.multiple_of(tail_ch * CHUNK, CHUNK), CHUNK)],
        ed_v.at[:, pl.ds(E_REG, CHUNK)], sem_in)

    zero16 = jnp.zeros((16,), jnp.float32)

    def zbody(i, carry):
        for k in range(4):
            zer_v[pl.ds(i * 64 + k * 16, 16)] = zero16
        return carry

    lax.fori_loop(0, ZSLICE // 64, zbody, 0)
    cp_z = pltpu.async_copy(zer_v, hist_s.at[pl.ds(s * ZSLICE, ZSLICE)],
                            sem_r2)

    one16 = jnp.ones((16,), jnp.float32)
    for k in range(CHUNK // 16):
        ones_v[pl.ds(k * 16, 16)] = one16

    cp_x.wait()
    cp_r.wait()
    cp_t.wait()
    cp_z.wait()

    plsc.subcore_barrier()

    def cbody(j, carry):
        mask = jnp.logical_and(j == CH_PER_W, w >= N_TAIL)
        for k in range(CHUNK // 16):
            s16 = ed_v[0, pl.ds(j * CHUNK + k * 16, 16)]
            d16 = ed_v[1, pl.ds(j * CHUNK + k * 16, 16)]
            t16 = plsc.load_gather(x_v, [s16])
            f16 = jnp.where(mask, jnp.int32(PAD_SLOT), t16 * C_PAD + d16)
            fidx_v[j, pl.ds(k * 16, 16)] = f16
        pltpu.async_copy(ones_v, hist_s.at[fidx_v.at[j]], sem_sc, add=True)
        return carry

    lax.fori_loop(0, CH_ALL, cbody, 0)

    def dbody(j, carry):
        pltpu.make_async_copy(ones_v, hist_s.at[fidx_v.at[0]], sem_sc).wait()
        return carry

    lax.fori_loop(0, CH_ALL, dbody, 0)

    plsc.subcore_barrier()

    HSL = ZSLICE // 2
    pltpu.sync_copy(hist_s.at[pl.ds(s * ZSLICE, HSL)],
                    zer_v.at[pl.ds(0, HSL)])
    cp_o = pltpu.async_copy(
        zer_v.at[pl.ds(0, HSL)],
        hist_hbm.at[pl.ds(c * HIST_SP + s * ZSLICE, HSL)], sem_in)
    pltpu.sync_copy(hist_s.at[pl.ds(s * ZSLICE + HSL, HSL)],
                    zer_v.at[pl.ds(HSL, HSL)])
    cp_o.wait()
    pltpu.sync_copy(zer_v.at[pl.ds(HSL, HSL)],
                    hist_hbm.at[pl.ds(c * HIST_SP + s * ZSLICE + HSL, HSL)])


_sc_hist = pl.kernel(
    _sc_body,
    out_type=jax.ShapeDtypeStruct((NC * HIST_SP,), jnp.float32),
    mesh=plsc.VectorSubcoreMesh(core_axis_name="c", subcore_axis_name="s"),
    compiler_params=pltpu.CompilerParams(needs_layout_passes=False),
    scratch_types=[
        pltpu.VMEM((N_ATOMS,), jnp.int32),
        pltpu.VMEM((2, E_PAD), jnp.int32),
        pltpu.VMEM((CH_ALL, CHUNK), jnp.int32),
        pltpu.VMEM((CHUNK,), jnp.float32),
        pltpu.VMEM((ZSLICE,), jnp.float32),
        pltpu.VMEM_SHARED((HIST_SP,), jnp.float32),
        pltpu.SemaphoreType.DMA,
        pltpu.SemaphoreType.DMA,
        pltpu.SemaphoreType.DMA,
    ],
)


MM_GRID = 2
MM_BJ = CYC_BLOCKS // MM_GRID


def _mm_body(hist_ref, emb_ref, out_ref):
    e = emb_ref[...]
    h = hist_ref[0] + hist_ref[1]
    hw = jnp.concatenate([h[:, bj, :] for bj in range(MM_BJ)], axis=1)
    out_ref[...] = lax.dot_general(
        hw, e, (((0,), (0,)), ((), ())),
        preferred_element_type=jnp.float32)


def _tc_expand(hist4, embp):
    return pl.pallas_call(
        _mm_body,
        grid=(MM_GRID,),
        in_specs=[
            pl.BlockSpec((NC, VOCAB, MM_BJ, 128), lambda i: (0, 0, i, 0)),
            pl.BlockSpec((VOCAB, HIDDEN), lambda i: (0, 0)),
        ],
        out_specs=pl.BlockSpec((MM_BJ * 128, HIDDEN), lambda i: (i, 0)),
        out_shape=jax.ShapeDtypeStruct((NUM_SEGMENTS, HIDDEN), jnp.float32),
        compiler_params=pltpu.CompilerParams(fuse_transposed_lhs_in_matmul=True),
    )(hist4, embp)


@jax.jit
def kernel(x, atom_to_cycle, emb_weight):
    hist = _sc_hist(x, atom_to_cycle)
    hist4 = hist.reshape(NC, VOCAB, CYC_BLOCKS, 128)
    return _tc_expand(hist4, emb_weight)

# --- scband reference (transcript-rebuilt; emitter-appended) ---
"""Pipeline reference for scband-cycle-embedding0-14267881357891 (READ-ONLY COPY).

The authoritative reference and input builder live on the scoring server;
editing this copy changes nothing except your own understanding.
"""

import jax, jax.numpy as jnp
import numpy as np

N_ATOMS = 10000
N_EDGES = 320000
HIDDEN = 128
VOCAB = 28
NUM_SEGMENTS = 10000


def setup_inputs(seed: int = 0) -> dict:
    key = jax.random.key(seed)
    k1, k2, k3 = jax.random.split(key, 3)
    x = jax.random.randint(k1, (N_ATOMS,), 0, VOCAB, dtype=jnp.int64 if jax.config.jax_enable_x64 else jnp.int32).astype(jnp.int32)
    atom_to_cycle = jax.random.randint(k2, (2, N_EDGES), 0, N_ATOMS).astype(jnp.int32)
    emb_weight = jax.random.normal(k3, (VOCAB, HIDDEN), dtype=jnp.float32)
    return {"x": x, "atom_to_cycle": atom_to_cycle, "emb_weight": emb_weight}


def reference(x, atom_to_cycle, emb_weight):
    # self.emb(x): embedding lookup, ds='ZINC-Full' -> Embedding(28, hidden_dim)
    h = jnp.take(emb_weight, x, axis=0)            # [N_ATOMS, HIDDEN]
    # x[atom_to_cycle[0]]: gather atom features per incidence pair
    gathered = jnp.take(h, atom_to_cycle[0], axis=0)  # [N_EDGES, HIDDEN]
    # scatter_sum(..., atom_to_cycle[1], 0): segment sum into cycles
    out = jax.ops.segment_sum(gathered, atom_to_cycle[1], num_segments=NUM_SEGMENTS)
    return out

if __name__ == "__main__":
    import jax
    _d = setup_inputs()
    print(jax.jit(kernel)(*tuple(_d.values())))

</pallas_src>

<mosaic_0001>
#map = affine_map<(d0, d1) -> (0)>
#map1 = affine_map<(d0, d1) -> (0, 0)>
module attributes {stable_mosaic.version = 14 : i64} {
  func.func @_sc_body(%arg0: i32, %arg1: i32, %arg2: memref<10000xi32, #tpu.memory_space<hbm>>, %arg3: memref<2x320000xi32, #tpu.memory_space<hbm>>, %arg4: memref<573440xf32, #tpu.memory_space<hbm>>, %arg5: memref<10000xi32, #tpu.memory_space<vmem>>, %arg6: memref<2x10112xi32, #tpu.memory_space<vmem>>, %arg7: memref<79x128xi32, #tpu.memory_space<vmem>>, %arg8: memref<128xf32, #tpu.memory_space<vmem>>, %arg9: memref<17920xf32, #tpu.memory_space<vmem>>, %arg10: memref<286720xf32, #tpu.memory_space<vmem_shared>>, %arg11: memref<!tpu.dma_semaphore, #tpu.memory_space<semaphore_mem>>, %arg12: memref<!tpu.dma_semaphore, #tpu.memory_space<semaphore_mem>>, %arg13: memref<!tpu.dma_semaphore, #tpu.memory_space<semaphore_mem>>) attributes {dimension_semantics = [#tpu.dimension_semantics<core_parallel>, #tpu.dimension_semantics<subcore_parallel>], iteration_bounds = array<i64: 2, 16>, scalar_prefetch = 0 : i64, scratch_operands = 9 : i64, tpu.core_type = #tpu.core_type<sc_vector_subcore>, window_params = [{transform_indices = #map}, {transform_indices = #map1}, {transform_indices = #map}]} {
    %mul3A = arith.constant 16 : i32
    %mul3A_0 = arith.muli %arg0, %mul3A : i32
    %add3A = arith.addi %mul3A_0, %arg1 : i32
    %and3A = arith.constant 3 : i32
    %and3A_1 = arith.andi %add3A, %and3A : i32
    %add3A_2 = arith.constant 2496 : i32
    %add3A_3 = arith.addi %add3A_2, %and3A_1 : i32
    tpu.enqueue_dma source(%arg2 : memref<10000xi32, #tpu.memory_space<hbm>>) target(%arg5 : memref<10000xi32, #tpu.memory_space<vmem>>) target_semaphore(%arg11 : memref<!tpu.dma_semaphore, #tpu.memory_space<semaphore_mem>>)
    %mul3A_4 = arith.constant 9984 : i32
    %mul3A_5 = arith.muli %add3A, %mul3A_4 : i32
    %multiple_of3A = tpu.assume_multiple %mul3A_5, 128 : i32
    %dma_start3A = arith.constant 0 : i32
    %dma_start3A_6 = arith.constant 0 : i32
    %dma_start3A_7 = tpu.memref_slice %arg6[%dma_start3A, %dma_start3A_6] : memref<2x10112xi32, #tpu.memory_space<vmem>> -> memref<2x9984xi32, #tpu.memory_space<vmem>>
    %dma_start3A_8 = arith.constant 0 : i32
    %dma_start3A_9 = tpu.memref_slice %arg3[%dma_start3A_8, %multiple_of3A] : memref<2x320000xi32, #tpu.memory_space<hbm>> -> memref<2x9984xi32, #tpu.memory_space<hbm>>
    %dma_start3A_10 = arith.constant 0 : i32
    %dma_start3A_11 = arith.constant 0 : i32
    %dma_start3A_12 = tpu.memref_slice %arg6[%dma_start3A_10, %dma_start3A_11] : memref<2x10112xi32, #tpu.memory_space<vmem>> -> memref<2x9984xi32, #tpu.memory_space<vmem>>
    %dma_start3A_13 = arith.constant 0 : i32
    %dma_start3A_14 = tpu.memref_slice %arg3[%dma_start3A_13, %multiple_of3A] : memref<2x320000xi32, #tpu.memory_space<hbm>> -> memref<2x9984xi32, #tpu.memory_space<hbm>>
    tpu.enqueue_dma source(%dma_start3A_14 : memref<2x9984xi32, #tpu.memory_space<hbm>>) target(%dma_start3A_12 : memref<2x9984xi32, #tpu.memory_space<vmem>>) target_semaphore(%arg11 : memref<!tpu.dma_semaphore, #tpu.memory_space<semaphore_mem>>)
    %mul3A_15 = arith.constant 128 : i32
    %mul3A_16 = arith.muli %add3A_3, %mul3A_15 : i32
    %multiple_of3A_17 = tpu.assume_multiple %mul3A_16, 128 : i32
    %dma_start3A_18 = arith.constant 0 : i32
    %dma_start3A_19 = arith.constant 9984 : i32
    %dma_start3A_20 = tpu.memref_slice %arg6[%dma_start3A_18, %dma_start3A_19] : memref<2x10112xi32, #tpu.memory_space<vmem>> -> memref<2x128xi32, #tpu.memory_space<vmem>>
    %dma_start3A_21 = arith.constant 0 : i32
    %dma_start3A_22 = tpu.memref_slice %arg3[%dma_start3A_21, %multiple_of3A_17] : memref<2x320000xi32, #tpu.memory_space<hbm>> -> memref<2x128xi32, #tpu.memory_space<hbm>>
    %dma_start3A_23 = arith.constant 0 : i32
    %dma_start3A_24 = arith.constant 9984 : i32
    %dma_start3A_25 = tpu.memref_slice %arg6[%dma_start3A_23, %dma_start3A_24] : memref<2x10112xi32, #tpu.memory_space<vmem>> -> memref<2x128xi32, #tpu.memory_space<vmem>>
    %dma_start3A_26 = arith.constant 0 : i32
    %dma_start3A_27 = tpu.memref_slice %arg3[%dma_start3A_26, %multiple_of3A_17] : memref<2x320000xi32, #tpu.memory_space<hbm>> -> memref<2x128xi32, #tpu.memory_space<hbm>>
    tpu.enqueue_dma source(%dma_start3A_27 : memref<2x128xi32, #tpu.memory_space<hbm>>) target(%dma_start3A_25 : memref<2x128xi32, #tpu.memory_space<vmem>>) target_semaphore(%arg11 : memref<!tpu.dma_semaphore, #tpu.memory_space<semaphore_mem>>)
    %broadcast_in_dim3A = arith.constant 0.000000e+00 : f32
    %broadcast_in_dim3A_28 = vector.broadcast %broadcast_in_dim3A : f32 to vector<16xf32>
    %scan3A = arith.constant 0 : i32
    %scan3A_29 = arith.constant 0 : i32
    %scan3A_30 = arith.constant 280 : i32
    %scan3A_31 = arith.addi %scan3A_29, %scan3A_30 : i32
    %scan3A_32 = arith.constant 1 : i32
    scf.for %scan3A_119 = %scan3A_29 to %scan3A_31 step %scan3A_32  : i32 {
      %mul3A_120 = arith.constant 64 : i32
      %mul3A_121 = arith.muli %scan3A_119, %mul3A_120 : i32
      %add3A_122 = arith.constant 0 : i32
      %add3A_123 = arith.addi %mul3A_121, %add3A_122 : i32
      %swap3A_124 = arith.index_cast %add3A_123 : i32 to index
      %swap3A_125 = tpu.vector_load %arg9[%swap3A_124] {strides = array<i32>} : memref<17920xf32, #tpu.memory_space<vmem>>, vector<16xf32>,
      tpu.vector_store %arg9[%swap3A_124], %broadcast_in_dim3A_28 {strides = array<i32>} : memref<17920xf32, #tpu.memory_space<vmem>>, vector<16xf32>,
      %mul3A_126 = arith.constant 64 : i32
      %mul3A_127 = arith.muli %scan3A_119, %mul3A_126 : i32
      %add3A_128 = arith.constant 16 : i32
      %add3A_129 = arith.addi %mul3A_127, %add3A_128 : i32
      %swap3A_130 = arith.index_cast %add3A_129 : i32 to index
      %swap3A_131 = tpu.vector_load %arg9[%swap3A_130] {strides = array<i32>} : memref<17920xf32, #tpu.memory_space<vmem>>, vector<16xf32>,
      tpu.vector_store %arg9[%swap3A_130], %broadcast_in_dim3A_28 {strides = array<i32>} : memref<17920xf32, #tpu.memory_space<vmem>>, vector<16xf32>,
      %mul3A_132 = arith.constant 64 : i32
      %mul3A_133 = arith.muli %scan3A_119, %mul3A_132 : i32
      %add3A_134 = arith.constant 32 : i32
      %add3A_135 = arith.addi %mul3A_133, %add3A_134 : i32
      %swap3A_136 = arith.index_cast %add3A_135 : i32 to index
      %swap3A_137 = tpu.vector_load %arg9[%swap3A_136] {strides = array<i32>} : memref<17920xf32, #tpu.memory_space<vmem>>, vector<16xf32>,
      tpu.vector_store %arg9[%swap3A_136], %broadcast_in_dim3A_28 {strides = array<i32>} : memref<17920xf32, #tpu.memory_space<vmem>>, vector<16xf32>,
      %mul3A_138 = arith.constant 64 : i32
      %mul3A_139 = arith.muli %scan3A_119, %mul3A_138 : i32
      %add3A_140 = arith.constant 48 : i32
      %add3A_141 = arith.addi %mul3A_139, %add3A_140 : i32
      %swap3A_142 = arith.index_cast %add3A_141 : i32 to index
      %swap3A_143 = tpu.vector_load %arg9[%swap3A_142] {strides = array<i32>} : memref<17920xf32, #tpu.memory_space<vmem>>, vector<16xf32>,
      tpu.vector_store %arg9[%swap3A_142], %broadcast_in_dim3A_28 {strides = array<i32>} : memref<17920xf32, #tpu.memory_space<vmem>>, vector<16xf32>,
    }
    %scan3A_33 = arith.constant 280 : i32
    %mul3A_34 = arith.constant 17920 : i32
    %mul3A_35 = arith.muli %arg1, %mul3A_34 : i32
    %dma_start3A_36 = tpu.memref_slice %arg10[%mul3A_35] : memref<286720xf32, #tpu.memory_space<vmem_shared>> -> memref<17920xf32, #tpu.memory_space<vmem_shared>>
    %dma_start3A_37 = tpu.memref_slice %arg10[%mul3A_35] : memref<286720xf32, #tpu.memory_space<vmem_shared>> -> memref<17920xf32, #tpu.memory_space<vmem_shared>>
    tpu.enqueue_dma source(%arg9 : memref<17920xf32, #tpu.memory_space<vmem>>) target(%dma_start3A_37 : memref<17920xf32, #tpu.memory_space<vmem_shared>>) target_semaphore(%arg12 : memref<!tpu.dma_semaphore, #tpu.memory_space<semaphore_mem>>)
    %broadcast_in_dim3A_38 = arith.constant 1.000000e+00 : f32
    %broadcast_in_dim3A_39 = vector.broadcast %broadcast_in_dim3A_38 : f32 to vector<16xf32>
    %swap3A = arith.constant 0 : index
    %swap3A_40 = tpu.vector_load %arg8[%swap3A] {strides = array<i32>} : memref<128xf32, #tpu.memory_space<vmem>>, vector<16xf32>,
    tpu.vector_store %arg8[%swap3A], %broadcast_in_dim3A_39 {strides = array<i32>} : memref<128xf32, #tpu.memory_space<vmem>>, vector<16xf32>,
    %swap3A_41 = arith.constant 16 : index
    %swap3A_42 = tpu.vector_load %arg8[%swap3A_41] {strides = array<i32>} : memref<128xf32, #tpu.memory_space<vmem>>, vector<16xf32>,
    tpu.vector_store %arg8[%swap3A_41], %broadcast_in_dim3A_39 {strides = array<i32>} : memref<128xf32, #tpu.memory_space<vmem>>, vector<16xf32>,
    %swap3A_43 = arith.constant 32 : index
    %swap3A_44 = tpu.vector_load %arg8[%swap3A_43] {strides = array<i32>} : memref<128xf32, #tpu.memory_space<vmem>>, vector<16xf32>,
    tpu.vector_store %arg8[%swap3A_43], %broadcast_in_dim3A_39 {strides = array<i32>} : memref<128xf32, #tpu.memory_space<vmem>>, vector<16xf32>,
    %swap3A_45 = arith.constant 48 : index
    %swap3A_46 = tpu.vector_load %arg8[%swap3A_45] {strides = array<i32>} : memref<128xf32, #tpu.memory_space<vmem>>, vector<16xf32>,
    tpu.vector_store %arg8[%swap3A_45], %broadcast_in_dim3A_39 {strides = array<i32>} : memref<128xf32, #tpu.memory_space<vmem>>, vector<16xf32>,
    %swap3A_47 = arith.constant 64 : index
    %swap3A_48 = tpu.vector_load %arg8[%swap3A_47] {strides = array<i32>} : memref<128xf32, #tpu.memory_space<vmem>>, vector<16xf32>,
    tpu.vector_store %arg8[%swap3A_47], %broadcast_in_dim3A_39 {strides = array<i32>} : memref<128xf32, #tpu.memory_space<vmem>>, vector<16xf32>,
    %swap3A_49 = arith.constant 80 : index
    %swap3A_50 = tpu.vector_load %arg8[%swap3A_49] {strides = array<i32>} : memref<128xf32, #tpu.memory_space<vmem>>, vector<16xf32>,
    tpu.vector_store %arg8[%swap3A_49], %broadcast_in_dim3A_39 {strides = array<i32>} : memref<128xf32, #tpu.memory_space<vmem>>, vector<16xf32>,
    %swap3A_51 = arith.constant 96 : index
    %swap3A_52 = tpu.vector_load %arg8[%swap3A_51] {strides = array<i32>} : memref<128xf32, #tpu.memory_space<vmem>>, vector<16xf32>,
    tpu.vector_store %arg8[%swap3A_51], %broadcast_in_dim3A_39 {strides = array<i32>} : memref<128xf32, #tpu.memory_space<vmem>>, vector<16xf32>,
    %swap3A_53 = arith.constant 112 : index
    %swap3A_54 = tpu.vector_load %arg8[%swap3A_53] {strides = array<i32>} : memref<128xf32, #tpu.memory_space<vmem>>, vector<16xf32>,
    tpu.vector_store %arg8[%swap3A_53], %broadcast_in_dim3A_39 {strides = array<i32>} : memref<128xf32, #tpu.memory_space<vmem>>, vector<16xf32>,
    tpu.wait_dma2 semaphore(%arg11 : memref<!tpu.dma_semaphore, #tpu.memory_space<semaphore_mem>>) src(%arg2 : memref<10000xi32, #tpu.memory_space<hbm>>) dst(%arg5 : memref<10000xi32, #tpu.memory_space<vmem>>)
    %dma_wait3A = arith.constant 0 : i32
    %dma_wait3A_55 = arith.constant 0 : i32
    %dma_wait3A_56 = tpu.memref_slice %arg6[%dma_wait3A, %dma_wait3A_55] : memref<2x10112xi32, #tpu.memory_space<vmem>> -> memref<2x9984xi32, #tpu.memory_space<vmem>>
    %dma_wait3A_57 = arith.constant 0 : i32
    %dma_wait3A_58 = tpu.memref_slice %arg3[%dma_wait3A_57, %multiple_of3A] : memref<2x320000xi32, #tpu.memory_space<hbm>> -> memref<2x9984xi32, #tpu.memory_space<hbm>>
    %dma_wait3A_59 = arith.constant 0 : i32
    %dma_wait3A_60 = arith.constant 0 : i32
    %dma_wait3A_61 = tpu.memref_slice %arg6[%dma_wait3A_59, %dma_wait3A_60] : memref<2x10112xi32, #tpu.memory_space<vmem>> -> memref<2x9984xi32, #tpu.memory_space<vmem>>
    %dma_wait3A_62 = arith.constant 0 : i32
    %dma_wait3A_63 = tpu.memref_slice %arg3[%dma_wait3A_62, %multiple_of3A] : memref<2x320000xi32, #tpu.memory_space<hbm>> -> memref<2x9984xi32, #tpu.memory_space<hbm>>
    tpu.wait_dma2 semaphore(%arg11 : memref<!tpu.dma_semaphore, #tpu.memory_space<semaphore_mem>>) src(%dma_wait3A_63 : memref<2x9984xi32, #tpu.memory_space<hbm>>) dst(%dma_wait3A_61 : memref<2x9984xi32, #tpu.memory_space<vmem>>)
    %dma_wait3A_64 = arith.constant 0 : i32
    %dma_wait3A_65 = arith.constant 9984 : i32
    %dma_wait3A_66 = tpu.memref_slice %arg6[%dma_wait3A_64, %dma_wait3A_65] : memref<2x10112xi32, #tpu.memory_space<vmem>> -> memref<2x128xi32, #tpu.memory_space<vmem>>
    %dma_wait3A_67 = arith.constant 0 : i32
    %dma_wait3A_68 = tpu.memref_slice %arg3[%dma_wait3A_67, %multiple_of3A_17] : memref<2x320000xi32, #tpu.memory_space<hbm>> -> memref<2x128xi32, #tpu.memory_space<hbm>>
    %dma_wait3A_69 = arith.constant 0 : i32
    %dma_wait3A_70 = arith.constant 9984 : i32
    %dma_wait3A_71 = tpu.memref_slice %arg6[%dma_wait3A_69, %dma_wait3A_70] : memref<2x10112xi32, #tpu.memory_space<vmem>> -> memref<2x128xi32, #tpu.memory_space<vmem>>
    %dma_wait3A_72 = arith.constant 0 : i32
    %dma_wait3A_73 = tpu.memref_slice %arg3[%dma_wait3A_72, %multiple_of3A_17] : memref<2x320000xi32, #tpu.memory_space<hbm>> -> memref<2x128xi32, #tpu.memory_space<hbm>>
    tpu.wait_dma2 semaphore(%arg11 : memref<!tpu.dma_semaphore, #tpu.memory_space<semaphore_mem>>) src(%dma_wait3A_73 : memref<2x128xi32, #tpu.memory_space<hbm>>) dst(%dma_wait3A_71 : memref<2x128xi32, #tpu.memory_space<vmem>>)
    %dma_wait3A_74 = tpu.memref_slice %arg10[%mul3A_35] : memref<286720xf32, #tpu.memory_space<vmem_shared>> -> memref<17920xf32, #tpu.memory_space<vmem_shared>>
    %dma_wait3A_75 = tpu.memref_slice %arg10[%mul3A_35] : memref<286720xf32, #tpu.memory_space<vmem_shared>> -> memref<17920xf32, #tpu.memory_space<vmem_shared>>
    tpu.wait_dma2 semaphore(%arg12 : memref<!tpu.dma_semaphore, #tpu.memory_space<semaphore_mem>>) src(%arg9 : memref<17920xf32, #tpu.memory_space<vmem>>) dst(%dma_wait3A_75 : memref<17920xf32, #tpu.memory_space<vmem_shared>>)
    %barrier3A = arith.constant 0 : index
    tpu.barrier barrier_id(%barrier3A)
    %scan3A_76 = arith.constant 0 : i32
    %scan3A_77 = arith.constant 0 : i32
    %scan3A_78 = arith.constant 79 : i32
    %scan3A_79 = arith.addi %scan3A_77, %scan3A_78 : i32
    %scan3A_80 = arith.constant 1 : i32
    scf.for %scan3A_119 = %scan3A_77 to %scan3A_79 step %scan3A_80  : i32 {
      %eq3A = arith.constant 78 : i32
      %eq3A_120 = arith.cmpi eq, %scan3A_119, %eq3A : i32
      %ge3A = arith.constant 4 : i32
      %ge3A_121 = arith.cmpi sge, %add3A, %ge3A : i32
      %and3A_122 = arith.andi %eq3A_120, %ge3A_121 : i1
      %mul3A_123 = arith.constant 128 : i32
      %mul3A_124 = arith.muli %scan3A_119, %mul3A_123 : i32
      %add3A_125 = arith.constant 0 : i32
      %add3A_126 = arith.addi %mul3A_124, %add3A_125 : i32
      %get3A = arith.constant 0 : i32
      %get3A_127 = arith.index_cast %get3A : i32 to index
      %get3A_128 = arith.index_cast %add3A_126 : i32 to index
      %get3A_129 = tpu.vector_load %arg6[%get3A_127, %get3A_128] {strides = array<i32>} : memref<2x10112xi32, #tpu.memory_space<vmem>>, vector<16xi32>,
      %mul3A_130 = arith.constant 128 : i32
      %mul3A_131 = arith.muli %scan3A_119, %mul3A_130 : i32
      %add3A_132 = arith.constant 0 : i32
      %add3A_133 = arith.addi %mul3A_131, %add3A_132 : i32
      %get3A_134 = arith.constant 1 : i32
      %get3A_135 = arith.index_cast %get3A_134 : i32 to index
      %get3A_136 = arith.index_cast %add3A_133 : i32 to index
      %get3A_137 = tpu.vector_load %arg6[%get3A_135, %get3A_136] {strides = array<i32>} : memref<2x10112xi32, #tpu.memory_space<vmem>>, vector<16xi32>,
      %gather3A = tpu.vector_load_idx %arg5[%get3A_129] : memref<10000xi32, #tpu.memory_space<vmem>>[vector<16xi32>], vector<16xi32>,
      %mul3A_138 = arith.constant 10240 : i32
      %mul3A_139 = vector.broadcast %mul3A_138 : i32 to vector<16xi32>
      %mul3A_140 = arith.muli %gather3A, %mul3A_139 : vector<16xi32>
      %add3A_141 = arith.addi %mul3A_140, %get3A_137 : vector<16xi32>
      %jit3A = arith.constant 10000 : i32
      %broadcast_in_dim3A_142 = vector.broadcast %jit3A : i32 to vector<16xi32>
      %select_n3A = arith.select %and3A_122, %broadcast_in_dim3A_142, %add3A_141 : vector<16xi32>
      %swap3A_143 = arith.index_cast %scan3A_119 : i32 to index
      %swap3A_144 = arith.constant 0 : index
      %swap3A_145 = tpu.vector_load %arg7[%swap3A_143, %swap3A_144] {strides = array<i32>} : memref<79x128xi32, #tpu.memory_space<vmem>>, vector<16xi32>,
      tpu.vector_store %arg7[%swap3A_143, %swap3A_144], %select_n3A {strides = array<i32>} : memref<79x128xi32, #tpu.memory_space<vmem>>, vector<16xi32>,
      %mul3A_146 = arith.constant 128 : i32
      %mul3A_147 = arith.muli %scan3A_119, %mul3A_146 : i32
      %add3A_148 = arith.constant 16 : i32
      %add3A_149 = arith.addi %mul3A_147, %add3A_148 : i32
      %get3A_150 = arith.constant 0 : i32
      %get3A_151 = arith.index_cast %get3A_150 : i32 to index
      %get3A_152 = arith.index_cast %add3A_149 : i32 to index
      %get3A_153 = tpu.vector_load %arg6[%get3A_151, %get3A_152] {strides = array<i32>} : memref<2x10112xi32, #tpu.memory_space<vmem>>, vector<16xi32>,
      %mul3A_154 = arith.constant 128 : i32
      %mul3A_155 = arith.muli %scan3A_119, %mul3A_154 : i32
      %add3A_156 = arith.constant 16 : i32
      %add3A_157 = arith.addi %mul3A_155, %add3A_156 : i32
      %get3A_158 = arith.constant 1 : i32
      %get3A_159 = arith.index_cast %get3A_158 : i32 to index
      %get3A_160 = arith.index_cast %add3A_157 : i32 to index
      %get3A_161 = tpu.vector_load %arg6[%get3A_159, %get3A_160] {strides = array<i32>} : memref<2x10112xi32, #tpu.memory_space<vmem>>, vector<16xi32>,
      %gather3A_162 = tpu.vector_load_idx %arg5[%get3A_153] : memref<10000xi32, #tpu.memory_space<vmem>>[vector<16xi32>], vector<16xi32>,
      %mul3A_163 = arith.constant 10240 : i32
      %mul3A_164 = vector.broadcast %mul3A_163 : i32 to vector<16xi32>
      %mul3A_165 = arith.muli %gather3A_162, %mul3A_164 : vector<16xi32>
      %add3A_166 = arith.addi %mul3A_165, %get3A_161 : vector<16xi32>
      %jit3A_167 = arith.constant 10000 : i32
      %broadcast_in_dim3A_168 = vector.broadcast %jit3A_167 : i32 to vector<16xi32>
      %select_n3A_169 = arith.select %and3A_122, %broadcast_in_dim3A_168, %add3A_166 : vector<16xi32>
      %swap3A_170 = arith.index_cast %scan3A_119 : i32 to index
      %swap3A_171 = arith.constant 16 : index
      %swap3A_172 = tpu.vector_load %arg7[%swap3A_170, %swap3A_171] {strides = array<i32>} : memref<79x128xi32, #tpu.memory_space<vmem>>, vector<16xi32>,
      tpu.vector_store %arg7[%swap3A_170, %swap3A_171], %select_n3A_169 {strides = array<i32>} : memref<79x128xi32, #tpu.memory_space<vmem>>, vector<16xi32>,
      %mul3A_173 = arith.constant 128 : i32
      %mul3A_174 = arith.muli %scan3A_119, %mul3A_173 : i32
      %add3A_175 = arith.constant 32 : i32
      %add3A_176 = arith.addi %mul3A_174, %add3A_175 : i32
      %get3A_177 = arith.constant 0 : i32
      %get3A_178 = arith.index_cast %get3A_177 : i32 to index
      %get3A_179 = arith.index_cast %add3A_176 : i32 to index
      %get3A_180 = tpu.vector_load %arg6[%get3A_178, %get3A_179] {strides = array<i32>} : memref<2x10112xi32, #tpu.memory_space<vmem>>, vector<16xi32>,
      %mul3A_181 = arith.constant 128 : i32
      %mul3A_182 = arith.muli %scan3A_119, %mul3A_181 : i32
      %add3A_183 = arith.constant 32 : i32
      %add3A_184 = arith.addi %mul3A_182, %add3A_183 : i32
      %get3A_185 = arith.constant 1 : i32
      %get3A_186 = arith.index_cast %get3A_185 : i32 to index
      %get3A_187 = arith.index_cast %add3A_184 : i32 to index
      %get3A_188 = tpu.vector_load %arg6[%get3A_186, %get3A_187] {strides = array<i32>} : memref<2x10112xi32, #tpu.memory_space<vmem>>, vector<16xi32>,
      %gather3A_189 = tpu.vector_load_idx %arg5[%get3A_180] : memref<10000xi32, #tpu.memory_space<vmem>>[vector<16xi32>], vector<16xi32>,
      %mul3A_190 = arith.constant 10240 : i32
      %mul3A_191 = vector.broadcast %mul3A_190 : i32 to vector<16xi32>
      %mul3A_192 = arith.muli %gather3A_189, %mul3A_191 : vector<16xi32>
      %add3A_193 = arith.addi %mul3A_192, %get3A_188 : vector<16xi32>
      %jit3A_194 = arith.constant 10000 : i32
      %broadcast_in_dim3A_195 = vector.broadcast %jit3A_194 : i32 to vector<16xi32>
      %select_n3A_196 = arith.select %and3A_122, %broadcast_in_dim3A_195, %add3A_193 : vector<16xi32>
      %swap3A_197 = arith.index_cast %scan3A_119 : i32 to index
      %swap3A_198 = arith.constant 32 : index
      %swap3A_199 = tpu.vector_load %arg7[%swap3A_197, %swap3A_198] {strides = array<i32>} : memref<79x128xi32, #tpu.memory_space<vmem>>, vector<16xi32>,
      tpu.vector_store %arg7[%swap3A_197, %swap3A_198], %select_n3A_196 {strides = array<i32>} : memref<79x128xi32, #tpu.memory_space<vmem>>, vector<16xi32>,
      %mul3A_200 = arith.constant 128 : i32
      %mul3A_201 = arith.muli %scan3A_119, %mul3A_200 : i32
      %add3A_202 = arith.constant 48 : i32
      %add3A_203 = arith.addi %mul3A_201, %add3A_202 : i32
      %get3A_204 = arith.constant 0 : i32
      %get3A_205 = arith.index_cast %get3A_204 : i32 to index
      %get3A_206 = arith.index_cast %add3A_203 : i32 to index
      %get3A_207 = tpu.vector_load %arg6[%get3A_205, %get3A_206] {strides = array<i32>} : memref<2x10112xi32, #tpu.memory_space<vmem>>, vector<16xi32>,
      %mul3A_208 = arith.constant 128 : i32
      %mul3A_209 = arith.muli %scan3A_119, %mul3A_208 : i32
      %add3A_210 = arith.constant 48 : i32
      %add3A_211 = arith.addi %mul3A_209, %add3A_210 : i32
      %get3A_212 = arith.constant 1 : i32
      %get3A_213 = arith.index_cast %get3A_212 : i32 to index
      %get3A_214 = arith.index_cast %add3A_211 : i32 to index
      %get3A_215 = tpu.vector_load %arg6[%get3A_213, %get3A_214] {strides = array<i32>} : memref<2x10112xi32, #tpu.memory_space<vmem>>, vector<16xi32>,
      %gather3A_216 = tpu.vector_load_idx %arg5[%get3A_207] : memref<10000xi32, #tpu.memory_space<vmem>>[vector<16xi32>], vector<16xi32>,
      %mul3A_217 = arith.constant 10240 : i32
      %mul3A_218 = vector.broadcast %mul3A_217 : i32 to vector<16xi32>
      %mul3A_219 = arith.muli %gather3A_216, %mul3A_218 : vector<16xi32>
      %add3A_220 = arith.addi %mul3A_219, %get3A_215 : vector<16xi32>
      %jit3A_221 = arith.constant 10000 : i32
      %broadcast_in_dim3A_222 = vector.broadcast %jit3A_221 : i32 to vector<16xi32>
      %select_n3A_223 = arith.select %and3A_122, %broadcast_in_dim3A_222, %add3A_220 : vector<16xi32>
      %swap3A_224 = arith.index_cast %scan3A_119 : i32 to index
      %swap3A_225 = arith.constant 48 : index
      %swap3A_226 = tpu.vector_load %arg7[%swap3A_224, %swap3A_225] {strides = array<i32>} : memref<79x128xi32, #tpu.memory_space<vmem>>, vector<16xi32>,
      tpu.vector_store %arg7[%swap3A_224, %swap3A_225], %select_n3A_223 {strides = array<i32>} : memref<79x128xi32, #tpu.memory_space<vmem>>, vector<16xi32>,
      %mul3A_227 = arith.constant 128 : i32
      %mul3A_228 = arith.muli %scan3A_119, %mul3A_227 : i32
      %add3A_229 = arith.constant 64 : i32
      %add3A_230 = arith.addi %mul3A_228, %add3A_229 : i32
      %get3A_231 = arith.constant 0 : i32
      %get3A_232 = arith.index_cast %get3A_231 : i32 to index
      %get3A_233 = arith.index_cast %add3A_230 : i32 to index
      %get3A_234 = tpu.vector_load %arg6[%get3A_232, %get3A_233] {strides = array<i32>} : memref<2x10112xi32, #tpu.memory_space<vmem>>, vector<16xi32>,
      %mul3A_235 = arith.constant 128 : i32
      %mul3A_236 = arith.muli %scan3A_119, %mul3A_235 : i32
      %add3A_237 = arith.constant 64 : i32
      %add3A_238 = arith.addi %mul3A_236, %add3A_237 : i32
      %get3A_239 = arith.constant 1 : i32
      %get3A_240 = arith.index_cast %get3A_239 : i32 to index
      %get3A_241 = arith.index_cast %add3A_238 : i32 to index
      %get3A_242 = tpu.vector_load %arg6[%get3A_240, %get3A_241] {strides = array<i32>} : memref<2x10112xi32, #tpu.memory_space<vmem>>, vector<16xi32>,
      %gather3A_243 = tpu.vector_load_idx %arg5[%get3A_234] : memref<10000xi32, #tpu.memory_space<vmem>>[vector<16xi32>], vector<16xi32>,
      %mul3A_244 = arith.constant 10240 : i32
      %mul3A_245 = vector.broadcast %mul3A_244 : i32 to vector<16xi32>
      %mul3A_246 = arith.muli %gather3A_243, %mul3A_245 : vector<16xi32>
      %add3A_247 = arith.addi %mul3A_246, %get3A_242 : vector<16xi32>
      %jit3A_248 = arith.constant 10000 : i32
      %broadcast_in_dim3A_249 = vector.broadcast %jit3A_248 : i32 to vector<16xi32>
      %select_n3A_250 = arith.select %and3A_122, %broadcast_in_dim3A_249, %add3A_247 : vector<16xi32>
      %swap3A_251 = arith.index_cast %scan3A_119 : i32 to index
      %swap3A_252 = arith.constant 64 : index
      %swap3A_253 = tpu.vector_load %arg7[%swap3A_251, %swap3A_252] {strides = array<i32>} : memref<79x128xi32, #tpu.memory_space<vmem>>, vector<16xi32>,
      tpu.vector_store %arg7[%swap3A_251, %swap3A_252], %select_n3A_250 {strides = array<i32>} : memref<79x128xi32, #tpu.memory_space<vmem>>, vector<16xi32>,
      %mul3A_254 = arith.constant 128 : i32
      %mul3A_255 = arith.muli %scan3A_119, %mul3A_254 : i32
      %add3A_256 = arith.constant 80 : i32
      %add3A_257 = arith.addi %mul3A_255, %add3A_256 : i32
      %get3A_258 = arith.constant 0 : i32
      %get3A_259 = arith.index_cast %get3A_258 : i32 to index
      %get3A_260 = arith.index_cast %add3A_257 : i32 to index
      %get3A_261 = tpu.vector_load %arg6[%get3A_259, %get3A_260] {strides = array<i32>} : memref<2x10112xi32, #tpu.memory_space<vmem>>, vector<16xi32>,
      %mul3A_262 = arith.constant 128 : i32
      %mul3A_263 = arith.muli %scan3A_119, %mul3A_262 : i32
      %add3A_264 = arith.constant 80 : i32
      %add3A_265 = arith.addi %mul3A_263, %add3A_264 : i32
      %get3A_266 = arith.constant 1 : i32
      %get3A_267 = arith.index_cast %get3A_266 : i32 to index
      %get3A_268 = arith.index_cast %add3A_265 : i32 to index
      %get3A_269 = tpu.vector_load %arg6[%get3A_267, %get3A_268] {strides = array<i32>} : memref<2x10112xi32, #tpu.memory_space<vmem>>, vector<16xi32>,
      %gather3A_270 = tpu.vector_load_idx %arg5[%get3A_261] : memref<10000xi32, #tpu.memory_space<vmem>>[vector<16xi32>], vector<16xi32>,
      %mul3A_271 = arith.constant 10240 : i32
      %mul3A_272 = vector.broadcast %mul3A_271 : i32 to vector<16xi32>
      %mul3A_273 = arith.muli %gather3A_270, %mul3A_272 : vector<16xi32>
      %add3A_274 = arith.addi %mul3A_273, %get3A_269 : vector<16xi32>
      %jit3A_275 = arith.constant 10000 : i32
      %broadcast_in_dim3A_276 = vector.broadcast %jit3A_275 : i32 to vector<16xi32>
      %select_n3A_277 = arith.select %and3A_122, %broadcast_in_dim3A_276, %add3A_274 : vector<16xi32>
      %swap3A_278 = arith.index_cast %scan3A_119 : i32 to index
      %swap3A_279 = arith.constant 80 : index
      %swap3A_280 = tpu.vector_load %arg7[%swap3A_278, %swap3A_279] {strides = array<i32>} : memref<79x128xi32, #tpu.memory_space<vmem>>, vector<16xi32>,
      tpu.vector_store %arg7[%swap3A_278, %swap3A_279], %select_n3A_277 {strides = array<i32>} : memref<79x128xi32, #tpu.memory_space<vmem>>, vector<16xi32>,
      %mul3A_281 = arith.constant 128 : i32
      %mul3A_282 = arith.muli %scan3A_119, %mul3A_281 : i32
      %add3A_283 = arith.constant 96 : i32
      %add3A_284 = arith.addi %mul3A_282, %add3A_283 : i32
      %get3A_285 = arith.constant 0 : i32
      %get3A_286 = arith.index_cast %get3A_285 : i32 to index
      %get3A_287 = arith.index_cast %add3A_284 : i32 to index
      %get3A_288 = tpu.vector_load %arg6[%get3A_286, %get3A_287] {strides = array<i32>} : memref<2x10112xi32, #tpu.memory_space<vmem>>, vector<16xi32>,
      %mul3A_289 = arith.constant 128 : i32
      %mul3A_290 = arith.muli %scan3A_119, %mul3A_289 : i32
      %add3A_291 = arith.constant 96 : i32
      %add3A_292 = arith.addi %mul3A_290, %add3A_291 : i32
      %get3A_293 = arith.constant 1 : i32
      %get3A_294 = arith.index_cast %get3A_293 : i32 to index
      %get3A_295 = arith.index_cast %add3A_292 : i32 to index
      %get3A_296 = tpu.vector_load %arg6[%get3A_294, %get3A_295] {strides = array<i32>} : memref<2x10112xi32, #tpu.memory_space<vmem>>, vector<16xi32>,
      %gather3A_297 = tpu.vector_load_idx %arg5[%get3A_288] : memref<10000xi32, #tpu.memory_space<vmem>>[vector<16xi32>], vector<16xi32>,
      %mul3A_298 = arith.constant 10240 : i32
      %mul3A_299 = vector.broadcast %mul3A_298 : i32 to vector<16xi32>
      %mul3A_300 = arith.muli %gather3A_297, %mul3A_299 : vector<16xi32>
      %add3A_301 = arith.addi %mul3A_300, %get3A_296 : vector<16xi32>
      %jit3A_302 = arith.constant 10000 : i32
      %broadcast_in_dim3A_303 = vector.broadcast %jit3A_302 : i32 to vector<16xi32>
      %select_n3A_304 = arith.select %and3A_122, %broadcast_in_dim3A_303, %add3A_301 : vector<16xi32>
      %swap3A_305 = arith.index_cast %scan3A_119 : i32 to index
      %swap3A_306 = arith.constant 96 : index
      %swap3A_307 = tpu.vector_load %arg7[%swap3A_305, %swap3A_306] {strides = array<i32>} : memref<79x128xi32, #tpu.memory_space<vmem>>, vector<16xi32>,
      tpu.vector_store %arg7[%swap3A_305, %swap3A_306], %select_n3A_304 {strides = array<i32>} : memref<79x128xi32, #tpu.memory_space<vmem>>, vector<16xi32>,
      %mul3A_308 = arith.constant 128 : i32
      %mul3A_309 = arith.muli %scan3A_119, %mul3A_308 : i32
      %add3A_310 = arith.constant 112 : i32
      %add3A_311 = arith.addi %mul3A_309, %add3A_310 : i32
      %get3A_312 = arith.constant 0 : i32
      %get3A_313 = arith.index_cast %get3A_312 : i32 to index
      %get3A_314 = arith.index_cast %add3A_311 : i32 to index
      %get3A_315 = tpu.vector_load %arg6[%get3A_313, %get3A_314] {strides = array<i32>} : memref<2x10112xi32, #tpu.memory_space<vmem>>, vector<16xi32>,
      %mul3A_316 = arith.constant 128 : i32
      %mul3A_317 = arith.muli %scan3A_119, %mul3A_316 : i32
      %add3A_318 = arith.constant 112 : i32
      %add3A_319 = arith.addi %mul3A_317, %add3A_318 : i32
      %get3A_320 = arith.constant 1 : i32
      %get3A_321 = arith.index_cast %get3A_320 : i32 to index
      %get3A_322 = arith.index_cast %add3A_319 : i32 to index
      %get3A_323 = tpu.vector_load %arg6[%get3A_321, %get3A_322] {strides = array<i32>} : memref<2x10112xi32, #tpu.memory_space<vmem>>, vector<16xi32>,
      %gather3A_324 = tpu.vector_load_idx %arg5[%get3A_315] : memref<10000xi32, #tpu.memory_space<vmem>>[vector<16xi32>], vector<16xi32>,
      %mul3A_325 = arith.constant 10240 : i32
      %mul3A_326 = vector.broadcast %mul3A_325 : i32 to vector<16xi32>
      %mul3A_327 = arith.muli %gather3A_324, %mul3A_326 : vector<16xi32>
      %add3A_328 = arith.addi %mul3A_327, %get3A_323 : vector<16xi32>
      %jit3A_329 = arith.constant 10000 : i32
      %broadcast_in_dim3A_330 = vector.broadcast %jit3A_329 : i32 to vector<16xi32>
      %select_n3A_331 = arith.select %and3A_122, %broadcast_in_dim3A_330, %add3A_328 : vector<16xi32>
      %swap3A_332 = arith.index_cast %scan3A_119 : i32 to index
      %swap3A_333 = arith.constant 112 : index
      %swap3A_334 = tpu.vector_load %arg7[%swap3A_332, %swap3A_333] {strides = array<i32>} : memref<79x128xi32, #tpu.memory_space<vmem>>, vector<16xi32>,
      tpu.vector_store %arg7[%swap3A_332, %swap3A_333], %select_n3A_331 {strides = array<i32>} : memref<79x128xi32, #tpu.memory_space<vmem>>, vector<16xi32>,
      %dma_start3A_335 = arith.constant 0 : i32
      %dma_start3A_336 = tpu.memref_slice %arg7[%scan3A_119, %dma_start3A_335] : memref<79x128xi32, #tpu.memory_space<vmem>> -> memref<1x128xi32, #tpu.memory_space<vmem>>
      %dma_start3A_337 = tpu.memref_squeeze %dma_start3A_336 : memref<1x128xi32, #tpu.memory_space<vmem>> -> memref<128xi32, #tpu.memory_space<vmem>>
      %dma_start3A_338 = arith.constant 0 : i32
      %dma_start3A_339 = tpu.memref_slice %arg10[%dma_start3A_338] : memref<286720xf32, #tpu.memory_space<vmem_shared>> -> memref<286720xf32, #tpu.memory_space<vmem_shared>>
      tpu.enqueue_indirect_dma source(%arg8 : memref<128xf32, #tpu.memory_space<vmem>>) target(%dma_start3A_339 : memref<286720xf32, #tpu.memory_space<vmem_shared>>) offsets(%dma_start3A_337 : memref<128xi32, #tpu.memory_space<vmem>>) semaphore(%arg13 : memref<!tpu.dma_semaphore, #tpu.memory_space<semaphore_mem>>) {add = true}
    }
    %scan3A_81 = arith.constant 79 : i32
    %scan3A_82 = arith.constant 0 : i32
    %scan3A_83 = arith.constant 0 : i32
    %scan3A_84 = arith.constant 79 : i32
    %scan3A_85 = arith.addi %scan3A_83, %scan3A_84 : i32
    %scan3A_86 = arith.constant 1 : i32
    scf.for %scan3A_119 = %scan3A_83 to %scan3A_85 step %scan3A_86  : i32 {
      %dma_wait3A_120 = arith.constant 0 : i32
      %dma_wait3A_121 = arith.constant 0 : i32
      %dma_wait3A_122 = tpu.memref_slice %arg7[%dma_wait3A_120, %dma_wait3A_121] : memref<79x128xi32, #tpu.memory_space<vmem>> -> memref<1x128xi32, #tpu.memory_space<vmem>>
      %dma_wait3A_123 = tpu.memref_squeeze %dma_wait3A_122 : memref<1x128xi32, #tpu.memory_space<vmem>> -> memref<128xi32, #tpu.memory_space<vmem>>
      %dma_wait3A_124 = arith.constant 0 : i32
      %dma_wait3A_125 = tpu.memref_slice %arg10[%dma_wait3A_124] : memref<286720xf32, #tpu.memory_space<vmem_shared>> -> memref<286720xf32, #tpu.memory_space<vmem_shared>>
      tpu.wait_indirect_dma semaphore(%arg13 : memref<!tpu.dma_semaphore, #tpu.memory_space<semaphore_mem>>) src(%arg8 : memref<128xf32, #tpu.memory_space<vmem>>) dst(%dma_wait3A_125 : memref<286720xf32, #tpu.memory_space<vmem_shared>>)
    }
    %scan3A_87 = arith.constant 79 : i32
    %barrier3A_88 = arith.constant 0 : index
    tpu.barrier barrier_id(%barrier3A_88)
    %mul3A_89 = arith.constant 17920 : i32
    %mul3A_90 = arith.muli %arg1, %mul3A_89 : i32
    "tpu.region"() ({
      %run_scoped3A = tpu.sem_alloc : memref<!tpu.dma_semaphore, #tpu.memory_space<semaphore_mem>>
      %dma_start3A_119 = arith.constant 0 : i32
      %dma_start3A_120 = tpu.memref_slice %arg9[%dma_start3A_119] : memref<17920xf32, #tpu.memory_space<vmem>> -> memref<8960xf32, #tpu.memory_space<vmem>>
      %dma_start3A_121 = tpu.memref_slice %arg10[%mul3A_90] : memref<286720xf32, #tpu.memory_space<vmem_shared>> -> memref<8960xf32, #tpu.memory_space<vmem_shared>>
      %dma_start3A_122 = arith.constant 0 : i32
      %dma_start3A_123 = tpu.memref_slice %arg9[%dma_start3A_122] : memref<17920xf32, #tpu.memory_space<vmem>> -> memref<8960xf32, #tpu.memory_space<vmem>>
      %dma_start3A_124 = tpu.memref_slice %arg10[%mul3A_90] : memref<286720xf32, #tpu.memory_space<vmem_shared>> -> memref<8960xf32, #tpu.memory_space<vmem_shared>>
      tpu.enqueue_dma source(%dma_start3A_124 : memref<8960xf32, #tpu.memory_space<vmem_shared>>) target(%dma_start3A_123 : memref<8960xf32, #tpu.memory_space<vmem>>) target_semaphore(%run_scoped3A : memref<!tpu.dma_semaphore, #tpu.memory_space<semaphore_mem>>)
      %dma_wait3A_125 = arith.constant 0 : i32
      %dma_wait3A_126 = tpu.memref_slice %arg9[%dma_wait3A_125] : memref<17920xf32, #tpu.memory_space<vmem>> -> memref<8960xf32, #tpu.memory_space<vmem>>
      %dma_wait3A_127 = tpu.memref_slice %arg10[%mul3A_90] : memref<286720xf32, #tpu.memory_space<vmem_shared>> -> memref<8960xf32, #tpu.memory_space<vmem_shared>>
      %dma_wait3A_128 = arith.constant 0 : i32
      %dma_wait3A_129 = tpu.memref_slice %arg9[%dma_wait3A_128] : memref<17920xf32, #tpu.memory_space<vmem>> -> memref<8960xf32, #tpu.memory_space<vmem>>
      %dma_wait3A_130 = tpu.memref_slice %arg10[%mul3A_90] : memref<286720xf32, #tpu.memory_space<vmem_shared>> -> memref<8960xf32, #tpu.memory_space<vmem_shared>>
      tpu.wait_dma2 semaphore(%run_scoped3A : memref<!tpu.dma_semaphore, #tpu.memory_space<semaphore_mem>>) src(%dma_wait3A_130 : memref<8960xf32, #tpu.memory_space<vmem_shared>>) dst(%dma_wait3A_129 : memref<8960xf32, #tpu.memory_space<vmem>>)
      tpu.yield
    }) : () -> ()
    %mul3A_91 = arith.constant 286720 : i32
    %mul3A_92 = arith.muli %arg0, %mul3A_91 : i32
    %mul3A_93 = arith.constant 17920 : i32
    %mul3A_94 = arith.muli %arg1, %mul3A_93 : i32
    %add3A_95 = arith.addi %mul3A_92, %mul3A_94 : i32
    %dma_start3A_96 = arith.constant 0 : i32
    %dma_start3A_97 = tpu.memref_slice %arg9[%dma_start3A_96] : memref<17920xf32, #tpu.memory_space<vmem>> -> memref<8960xf32, #tpu.memory_space<vmem>>
    %dma_start3A_98 = tpu.memref_slice %arg4[%add3A_95] : memref<573440xf32, #tpu.memory_space<hbm>> -> memref<8960xf32, #tpu.memory_space<hbm>>
    %dma_start3A_99 = tpu.memref_slice %arg4[%add3A_95] : memref<573440xf32, #tpu.memory_space<hbm>> -> memref<8960xf32, #tpu.memory_space<hbm>>
    %dma_start3A_100 = arith.constant 0 : i32
    %dma_start3A_101 = tpu.memref_slice %arg9[%dma_start3A_100] : memref<17920xf32, #tpu.memory_space<vmem>> -> memref<8960xf32, #tpu.memory_space<vmem>>
    tpu.enqueue_dma source(%dma_start3A_101 : memref<8960xf32, #tpu.memory_space<vmem>>) target(%dma_start3A_99 : memref<8960xf32, #tpu.memory_space<hbm>>) target_semaphore(%arg11 : memref<!tpu.dma_semaphore, #tpu.memory_space<semaphore_mem>>)
    %mul3A_102 = arith.constant 17920 : i32
    %mul3A_103 = arith.muli %arg1, %mul3A_102 : i32
    %add3A_104 = arith.constant 8960 : i32
    %add3A_105 = arith.addi %mul3A_103, %add3A_104 : i32
    "tpu.region"() ({
      %run_scoped3A = tpu.sem_alloc : memref<!tpu.dma_semaphore, #tpu.memory_space<semaphore_mem>>
      %dma_start3A_119 = arith.constant 8960 : i32
      %dma_start3A_120 = tpu.memref_slice %arg9[%dma_start3A_119] : memref<17920xf32, #tpu.memory_space<vmem>> -> memref<8960xf32, #tpu.memory_space<vmem>>
      %dma_start3A_121 = tpu.memref_slice %arg10[%add3A_105] : memref<286720xf32, #tpu.memory_space<vmem_shared>> -> memref<8960xf32, #tpu.memory_space<vmem_shared>>
      %dma_start3A_122 = arith.constant 8960 : i32
      %dma_start3A_123 = tpu.memref_slice %arg9[%dma_start3A_122] : memref<17920xf32, #tpu.memory_space<vmem>> -> memref<8960xf32, #tpu.memory_space<vmem>>
      %dma_start3A_124 = tpu.memref_slice %arg10[%add3A_105] : memref<286720xf32, #tpu.memory_space<vmem_shared>> -> memref<8960xf32, #tpu.memory_space<vmem_shared>>
      tpu.enqueue_dma source(%dma_start3A_124 : memref<8960xf32, #tpu.memory_space<vmem_shared>>) target(%dma_start3A_123 : memref<8960xf32, #tpu.memory_space<vmem>>) target_semaphore(%run_scoped3A : memref<!tpu.dma_semaphore, #tpu.memory_space<semaphore_mem>>)
      %dma_wait3A_125 = arith.constant 8960 : i32
      %dma_wait3A_126 = tpu.memref_slice %arg9[%dma_wait3A_125] : memref<17920xf32, #tpu.memory_space<vmem>> -> memref<8960xf32, #tpu.memory_space<vmem>>
      %dma_wait3A_127 = tpu.memref_slice %arg10[%add3A_105] : memref<286720xf32, #tpu.memory_space<vmem_shared>> -> memref<8960xf32, #tpu.memory_space<vmem_shared>>
      %dma_wait3A_128 = arith.constant 8960 : i32
      %dma_wait3A_129 = tpu.memref_slice %arg9[%dma_wait3A_128] : memref<17920xf32, #tpu.memory_space<vmem>> -> memref<8960xf32, #tpu.memory_space<vmem>>
      %dma_wait3A_130 = tpu.memref_slice %arg10[%add3A_105] : memref<286720xf32, #tpu.memory_space<vmem_shared>> -> memref<8960xf32, #tpu.memory_space<vmem_shared>>
      tpu.wait_dma2 semaphore(%run_scoped3A : memref<!tpu.dma_semaphore, #tpu.memory_space<semaphore_mem>>) src(%dma_wait3A_130 : memref<8960xf32, #tpu.memory_space<vmem_shared>>) dst(%dma_wait3A_129 : memref<8960xf32, #tpu.memory_space<vmem>>)
      tpu.yield
    }) : () -> ()
    %dma_wait3A_106 = arith.constant 0 : i32
    %dma_wait3A_107 = tpu.memref_slice %arg9[%dma_wait3A_106] : memref<17920xf32, #tpu.memory_space<vmem>> -> memref<8960xf32, #tpu.memory_space<vmem>>
    %dma_wait3A_108 = tpu.memref_slice %arg4[%add3A_95] : memref<573440xf32, #tpu.memory_space<hbm>> -> memref<8960xf32, #tpu.memory_space<hbm>>
    %dma_wait3A_109 = tpu.memref_slice %arg4[%add3A_95] : memref<573440xf32, #tpu.memory_space<hbm>> -> memref<8960xf32, #tpu.memory_space<hbm>>
    %dma_wait3A_110 = arith.constant 0 : i32
    %dma_wait3A_111 = tpu.memref_slice %arg9[%dma_wait3A_110] : memref<17920xf32, #tpu.memory_space<vmem>> -> memref<8960xf32, #tpu.memory_space<vmem>>
    tpu.wait_dma2 semaphore(%arg11 : memref<!tpu.dma_semaphore, #tpu.memory_space<semaphore_mem>>) src(%dma_wait3A_111 : memref<8960xf32, #tpu.memory_space<vmem>>) dst(%dma_wait3A_109 : memref<8960xf32, #tpu.memory_space<hbm>>)
    %mul3A_112 = arith.constant 286720 : i32
    %mul3A_113 = arith.muli %arg0, %mul3A_112 : i32
    %mul3A_114 = arith.constant 17920 : i32
    %mul3A_115 = arith.muli %arg1, %mul3A_114 : i32
    %add3A_116 = arith.addi %mul3A_113, %mul3A_115 : i32
    %add3A_117 = arith.constant 8960 : i32
    %add3A_118 = arith.addi %add3A_116, %add3A_117 : i32
    "tpu.region"() ({
      %run_scoped3A = tpu.sem_alloc : memref<!tpu.dma_semaphore, #tpu.memory_space<semaphore_mem>>
      %dma_start3A_119 = arith.constant 8960 : i32
      %dma_start3A_120 = tpu.memref_slice %arg9[%dma_start3A_119] : memref<17920xf32, #tpu.memory_space<vmem>> -> memref<8960xf32, #tpu.memory_space<vmem>>
      %dma_start3A_121 = tpu.memref_slice %arg4[%add3A_118] : memref<573440xf32, #tpu.memory_space<hbm>> -> memref<8960xf32, #tpu.memory_space<hbm>>
      %dma_start3A_122 = tpu.memref_slice %arg4[%add3A_118] : memref<573440xf32, #tpu.memory_space<hbm>> -> memref<8960xf32, #tpu.memory_space<hbm>>
      %dma_start3A_123 = arith.constant 8960 : i32
      %dma_start3A_124 = tpu.memref_slice %arg9[%dma_start3A_123] : memref<17920xf32, #tpu.memory_space<vmem>> -> memref<8960xf32, #tpu.memory_space<vmem>>
      tpu.enqueue_dma source(%dma_start3A_124 : memref<8960xf32, #tpu.memory_space<vmem>>) target(%dma_start3A_122 : memref<8960xf32, #tpu.memory_space<hbm>>) target_semaphore(%run_scoped3A : memref<!tpu.dma_semaphore, #tpu.memory_space<semaphore_mem>>)
      %dma_wait3A_125 = arith.constant 8960 : i32
      %dma_wait3A_126 = tpu.memref_slice %arg9[%dma_wait3A_125] : memref<17920xf32, #tpu.memory_space<vmem>> -> memref<8960xf32, #tpu.memory_space<vmem>>
      %dma_wait3A_127 = tpu.memref_slice %arg4[%add3A_118] : memref<573440xf32, #tpu.memory_space<hbm>> -> memref<8960xf32, #tpu.memory_space<hbm>>
      %dma_wait3A_128 = tpu.memref_slice %arg4[%add3A_118] : memref<573440xf32, #tpu.memory_space<hbm>> -> memref<8960xf32, #tpu.memory_space<hbm>>
      %dma_wait3A_129 = arith.constant 8960 : i32
      %dma_wait3A_130 = tpu.memref_slice %arg9[%dma_wait3A_129] : memref<17920xf32, #tpu.memory_space<vmem>> -> memref<8960xf32, #tpu.memory_space<vmem>>
      tpu.wait_dma2 semaphore(%run_scoped3A : memref<!tpu.dma_semaphore, #tpu.memory_space<semaphore_mem>>) src(%dma_wait3A_130 : memref<8960xf32, #tpu.memory_space<vmem>>) dst(%dma_wait3A_128 : memref<8960xf32, #tpu.memory_space<hbm>>)
      tpu.yield
    }) : () -> ()
    return
  }
}

module attributes {stable_mosaic.version = 14 : i64} {
  func.func @_mm_body(%arg0: i32, %arg1: memref<2x28x40x128xf32, #tpu.memory_space<vmem>>, %arg2: memref<28x128xf32, #tpu.memory_space<vmem>>, %arg3: memref<5120x128xf32, #tpu.memory_space<vmem>>) attributes {dimension_semantics = [#tpu.dimension_semantics<arbitrary>], iteration_bounds = array<i64: 2>, scalar_prefetch = 0 : i64, scratch_operands = 0 : i64, tpu.core_type = #tpu.core_type<tc>, window_params = [{transform_indices = @transform_0, window_bounds = array<i64: 2, 28, 40, 128>}, {pipeline_mode = #tpu.pipeline_mode<synchronous>, transform_indices = @transform_1, window_bounds = array<i64: 28, 128>}, {transform_indices = @transform_2, window_bounds = array<i64: 5120, 128>}]} {
    %get3A = arith.constant 0 : index
    %get3A_0 = arith.constant 0 : index
    %get3A_1 = vector.load %arg2[%get3A, %get3A_0] : memref<28x128xf32, #tpu.memory_space<vmem>>, vector<28x128xf32>
    %get3A_2 = arith.constant 0 : index
    %get3A_3 = arith.constant 0 : index
    %get3A_4 = arith.constant 0 : index
    %get3A_5 = arith.constant 0 : index
    %get3A_6 = vector.load %arg1[%get3A_2, %get3A_3, %get3A_4, %get3A_5] : memref<2x28x40x128xf32, #tpu.memory_space<vmem>>, vector<1x28x40x128xf32>
    %get3A_7 = vector.shape_cast %get3A_6 : vector<1x28x40x128xf32> to vector<28x40x128xf32>
    %get3A_8 = arith.constant 1 : index
    %get3A_9 = arith.constant 0 : index
    %get3A_10 = arith.constant 0 : index
    %get3A_11 = arith.constant 0 : index
    %get3A_12 = vector.load %arg1[%get3A_8, %get3A_9, %get3A_10, %get3A_11] : memref<2x28x40x128xf32, #tpu.memory_space<vmem>>, vector<1x28x40x128xf32>
    %get3A_13 = vector.shape_cast %get3A_12 : vector<1x28x40x128xf32> to vector<28x40x128xf32>
    %add3A = arith.addf %get3A_7, %get3A_13 : vector<28x40x128xf32>
    %slice3A = vector.extract_strided_slice %add3A {offsets = [0, 0, 0], sizes = [28, 1, 128], strides = [1, 1, 1]} : vector<28x40x128xf32> to vector<28x1x128xf32>
    %squeeze3A = vector.shape_cast %slice3A : vector<28x1x128xf32> to vector<28x128xf32>
    %slice3A_14 = vector.extract_strided_slice %add3A {offsets = [0, 1, 0], sizes = [28, 1, 128], strides = [1, 1, 1]} : vector<28x40x128xf32> to vector<28x1x128xf32>
    %squeeze3A_15 = vector.shape_cast %slice3A_14 : vector<28x1x128xf32> to vector<28x128xf32>
    %slice3A_16 = vector.extract_strided_slice %add3A {offsets = [0, 2, 0], sizes = [28, 1, 128], strides = [1, 1, 1]} : vector<28x40x128xf32> to vector<28x1x128xf32>
    %squeeze3A_17 = vector.shape_cast %slice3A_16 : vector<28x1x128xf32> to vector<28x128xf32>
    %slice3A_18 = vector.extract_strided_slice %add3A {offsets = [0, 3, 0], sizes = [28, 1, 128], strides = [1, 1, 1]} : vector<28x40x128xf32> to vector<28x1x128xf32>
    %squeeze3A_19 = vector.shape_cast %slice3A_18 : vector<28x1x128xf32> to vector<28x128xf32>
    %slice3A_20 = vector.extract_strided_slice %add3A {offsets = [0, 4, 0], sizes = [28, 1, 128], strides = [1, 1, 1]} : vector<28x40x128xf32> to vector<28x1x128xf32>
    %squeeze3A_21 = vector.shape_cast %slice3A_20 : vector<28x1x128xf32> to vector<28x128xf32>
    %slice3A_22 = vector.extract_strided_slice %add3A {offsets = [0, 5, 0], sizes = [28, 1, 128], strides = [1, 1, 1]} : vector<28x40x128xf32> to vector<28x1x128xf32>
    %squeeze3A_23 = vector.shape_cast %slice3A_22 : vector<28x1x128xf32> to vector<28x128xf32>
    %slice3A_24 = vector.extract_strided_slice %add3A {offsets = [0, 6, 0], sizes = [28, 1, 128], strides = [1, 1, 1]} : vector<28x40x128xf32> to vector<28x1x128xf32>
    %squeeze3A_25 = vector.shape_cast %slice3A_24 : vector<28x1x128xf32> to vector<28x128xf32>
    %slice3A_26 = vector.extract_strided_slice %add3A {offsets = [0, 7, 0], sizes = [28, 1, 128], strides = [1, 1, 1]} : vector<28x40x128xf32> to vector<28x1x128xf32>
    %squeeze3A_27 = vector.shape_cast %slice3A_26 : vector<28x1x128xf32> to vector<28x128xf32>
    %slice3A_28 = vector.extract_strided_slice %add3A {offsets = [0, 8, 0], sizes = [28, 1, 128], strides = [1, 1, 1]} : vector<28x40x128xf32> to vector<28x1x128xf32>
    %squeeze3A_29 = vector.shape_cast %slice3A_28 : vector<28x1x128xf32> to vector<28x128xf32>
    %slice3A_30 = vector.extract_strided_slice %add3A {offsets = [0, 9, 0], sizes = [28, 1, 128], strides = [1, 1, 1]} : vector<28x40x128xf32> to vector<28x1x128xf32>
    %squeeze3A_31 = vector.shape_cast %slice3A_30 : vector<28x1x128xf32> to vector<28x128xf32>
    %slice3A_32 = vector.extract_strided_slice %add3A {offsets = [0, 10, 0], sizes = [28, 1, 128], strides = [1, 1, 1]} : vector<28x40x128xf32> to vector<28x1x128xf32>
    %squeeze3A_33 = vector.shape_cast %slice3A_32 : vector<28x1x128xf32> to vector<28x128xf32>
    %slice3A_34 = vector.extract_strided_slice %add3A {offsets = [0, 11, 0], sizes = [28, 1, 128], strides = [1, 1, 1]} : vector<28x40x128xf32> to vector<28x1x128xf32>
    %squeeze3A_35 = vector.shape_cast %slice3A_34 : vector<28x1x128xf32> to vector<28x128xf32>
    %slice3A_36 = vector.extract_strided_slice %add3A {offsets = [0, 12, 0], sizes = [28, 1, 128], strides = [1, 1, 1]} : vector<28x40x128xf32> to vector<28x1x128xf32>
    %squeeze3A_37 = vector.shape_cast %slice3A_36 : vector<28x1x128xf32> to vector<28x128xf32>
    %slice3A_38 = vector.extract_strided_slice %add3A {offsets = [0, 13, 0], sizes = [28, 1, 128], strides = [1, 1, 1]} : vector<28x40x128xf32> to vector<28x1x128xf32>
    %squeeze3A_39 = vector.shape_cast %slice3A_38 : vector<28x1x128xf32> to vector<28x128xf32>
    %slice3A_40 = vector.extract_strided_slice %add3A {offsets = [0, 14, 0], sizes = [28, 1, 128], strides = [1, 1, 1]} : vector<28x40x128xf32> to vector<28x1x128xf32>
    %squeeze3A_41 = vector.shape_cast %slice3A_40 : vector<28x1x128xf32> to vector<28x128xf32>
    %slice3A_42 = vector.extract_strided_slice %add3A {offsets = [0, 15, 0], sizes = [28, 1, 128], strides = [1, 1, 1]} : vector<28x40x128xf32> to vector<28x1x128xf32>
    %squeeze3A_43 = vector.shape_cast %slice3A_42 : vector<28x1x128xf32> to vector<28x128xf32>
    %slice3A_44 = vector.extract_strided_slice %add3A {offsets = [0, 16, 0], sizes = [28, 1, 128], strides = [1, 1, 1]} : vector<28x40x128xf32> to vector<28x1x128xf32>
    %squeeze3A_45 = vector.shape_cast %slice3A_44 : vector<28x1x128xf32> to vector<28x128xf32>
    %slice3A_46 = vector.extract_strided_slice %add3A {offsets = [0, 17, 0], sizes = [28, 1, 128], strides = [1, 1, 1]} : vector<28x40x128xf32> to vector<28x1x128xf32>
    %squeeze3A_47 = vector.shape_cast %slice3A_46 : vector<28x1x128xf32> to vector<28x128xf32>
    %slice3A_48 = vector.extract_strided_slice %add3A {offsets = [0, 18, 0], sizes = [28, 1, 128], strides = [1, 1, 1]} : vector<28x40x128xf32> to vector<28x1x128xf32>
    %squeeze3A_49 = vector.shape_cast %slice3A_48 : vector<28x1x128xf32> to vector<28x128xf32>
    %slice3A_50 = vector.extract_strided_slice %add3A {offsets = [0, 19, 0], sizes = [28, 1, 128], strides = [1, 1, 1]} : vector<28x40x128xf32> to vector<28x1x128xf32>
    %squeeze3A_51 = vector.shape_cast %slice3A_50 : vector<28x1x128xf32> to vector<28x128xf32>
    %slice3A_52 = vector.extract_strided_slice %add3A {offsets = [0, 20, 0], sizes = [28, 1, 128], strides = [1, 1, 1]} : vector<28x40x128xf32> to vector<28x1x128xf32>
    %squeeze3A_53 = vector.shape_cast %slice3A_52 : vector<28x1x128xf32> to vector<28x128xf32>
    %slice3A_54 = vector.extract_strided_slice %add3A {offsets = [0, 21, 0], sizes = [28, 1, 128], strides = [1, 1, 1]} : vector<28x40x128xf32> to vector<28x1x128xf32>
    %squeeze3A_55 = vector.shape_cast %slice3A_54 : vector<28x1x128xf32> to vector<28x128xf32>
    %slice3A_56 = vector.extract_strided_slice %add3A {offsets = [0, 22, 0], sizes = [28, 1, 128], strides = [1, 1, 1]} : vector<28x40x128xf32> to vector<28x1x128xf32>
    %squeeze3A_57 = vector.shape_cast %slice3A_56 : vector<28x1x128xf32> to vector<28x128xf32>
    %slice3A_58 = vector.extract_strided_slice %add3A {offsets = [0, 23, 0], sizes = [28, 1, 128], strides = [1, 1, 1]} : vector<28x40x128xf32> to vector<28x1x128xf32>
    %squeeze3A_59 = vector.shape_cast %slice3A_58 : vector<28x1x128xf32> to vector<28x128xf32>
    %slice3A_60 = vector.extract_strided_slice %add3A {offsets = [0, 24, 0], sizes = [28, 1, 128], strides = [1, 1, 1]} : vector<28x40x128xf32> to vector<28x1x128xf32>
    %squeeze3A_61 = vector.shape_cast %slice3A_60 : vector<28x1x128xf32> to vector<28x128xf32>
    %slice3A_62 = vector.extract_strided_slice %add3A {offsets = [0, 25, 0], sizes = [28, 1, 128], strides = [1, 1, 1]} : vector<28x40x128xf32> to vector<28x1x128xf32>
    %squeeze3A_63 = vector.shape_cast %slice3A_62 : vector<28x1x128xf32> to vector<28x128xf32>
    %slice3A_64 = vector.extract_strided_slice %add3A {offsets = [0, 26, 0], sizes = [28, 1, 128], strides = [1, 1, 1]} : vector<28x40x128xf32> to vector<28x1x128xf32>
    %squeeze3A_65 = vector.shape_cast %slice3A_64 : vector<28x1x128xf32> to vector<28x128xf32>
    %slice3A_66 = vector.extract_strided_slice %add3A {offsets = [0, 27, 0], sizes = [28, 1, 128], strides = [1, 1, 1]} : vector<28x40x128xf32> to vector<28x1x128xf32>
    %squeeze3A_67 = vector.shape_cast %slice3A_66 : vector<28x1x128xf32> to vector<28x128xf32>
    %slice3A_68 = vector.extract_strided_slice %add3A {offsets = [0, 28, 0], sizes = [28, 1, 128], strides = [1, 1, 1]} : vector<28x40x128xf32> to vector<28x1x128xf32>
    %squeeze3A_69 = vector.shape_cast %slice3A_68 : vector<28x1x128xf32> to vector<28x128xf32>
    %slice3A_70 = vector.extract_strided_slice %add3A {offsets = [0, 29, 0], sizes = [28, 1, 128], strides = [1, 1, 1]} : vector<28x40x128xf32> to vector<28x1x128xf32>
    %squeeze3A_71 = vector.shape_cast %slice3A_70 : vector<28x1x128xf32> to vector<28x128xf32>
    %slice3A_72 = vector.extract_strided_slice %add3A {offsets = [0, 30, 0], sizes = [28, 1, 128], strides = [1, 1, 1]} : vector<28x40x128xf32> to vector<28x1x128xf32>
    %squeeze3A_73 = vector.shape_cast %slice3A_72 : vector<28x1x128xf32> to vector<28x128xf32>
    %slice3A_74 = vector.extract_strided_slice %add3A {offsets = [0, 31, 0], sizes = [28, 1, 128], strides = [1, 1, 1]} : vector<28x40x128xf32> to vector<28x1x128xf32>
    %squeeze3A_75 = vector.shape_cast %slice3A_74 : vector<28x1x128xf32> to vector<28x128xf32>
    %slice3A_76 = vector.extract_strided_slice %add3A {offsets = [0, 32, 0], sizes = [28, 1, 128], strides = [1, 1, 1]} : vector<28x40x128xf32> to vector<28x1x128xf32>
    %squeeze3A_77 = vector.shape_cast %slice3A_76 : vector<28x1x128xf32> to vector<28x128xf32>
    %slice3A_78 = vector.extract_strided_slice %add3A {offsets = [0, 33, 0], sizes = [28, 1, 128], strides = [1, 1, 1]} : vector<28x40x128xf32> to vector<28x1x128xf32>
    %squeeze3A_79 = vector.shape_cast %slice3A_78 : vector<28x1x128xf32> to vector<28x128xf32>
    %slice3A_80 = vector.extract_strided_slice %add3A {offsets = [0, 34, 0], sizes = [28, 1, 128], strides = [1, 1, 1]} : vector<28x40x128xf32> to vector<28x1x128xf32>
    %squeeze3A_81 = vector.shape_cast %slice3A_80 : vector<28x1x128xf32> to vector<28x128xf32>
    %slice3A_82 = vector.extract_strided_slice %add3A {offsets = [0, 35, 0], sizes = [28, 1, 128], strides = [1, 1, 1]} : vector<28x40x128xf32> to vector<28x1x128xf32>
    %squeeze3A_83 = vector.shape_cast %slice3A_82 : vector<28x1x128xf32> to vector<28x128xf32>
    %slice3A_84 = vector.extract_strided_slice %add3A {offsets = [0, 36, 0], sizes = [28, 1, 128], strides = [1, 1, 1]} : vector<28x40x128xf32> to vector<28x1x128xf32>
    %squeeze3A_85 = vector.shape_cast %slice3A_84 : vector<28x1x128xf32> to vector<28x128xf32>
    %slice3A_86 = vector.extract_strided_slice %add3A {offsets = [0, 37, 0], sizes = [28, 1, 128], strides = [1, 1, 1]} : vector<28x40x128xf32> to vector<28x1x128xf32>
    %squeeze3A_87 = vector.shape_cast %slice3A_86 : vector<28x1x128xf32> to vector<28x128xf32>
    %slice3A_88 = vector.extract_strided_slice %add3A {offsets = [0, 38, 0], sizes = [28, 1, 128], strides = [1, 1, 1]} : vector<28x40x128xf32> to vector<28x1x128xf32>
    %squeeze3A_89 = vector.shape_cast %slice3A_88 : vector<28x1x128xf32> to vector<28x128xf32>
    %slice3A_90 = vector.extract_strided_slice %add3A {offsets = [0, 39, 0], sizes = [28, 1, 128], strides = [1, 1, 1]} : vector<28x40x128xf32> to vector<28x1x128xf32>
    %squeeze3A_91 = vector.shape_cast %slice3A_90 : vector<28x1x128xf32> to vector<28x128xf32>
    %concatenate3A = tpu.concatenate %squeeze3A, %squeeze3A_15, %squeeze3A_17, %squeeze3A_19, %squeeze3A_21, %squeeze3A_23, %squeeze3A_25, %squeeze3A_27, %squeeze3A_29, %squeeze3A_31, %squeeze3A_33, %squeeze3A_35, %squeeze3A_37, %squeeze3A_39, %squeeze3A_41, %squeeze3A_43, %squeeze3A_45, %squeeze3A_47, %squeeze3A_49, %squeeze3A_51, %squeeze3A_53, %squeeze3A_55, %squeeze3A_57, %squeeze3A_59, %squeeze3A_61, %squeeze3A_63, %squeeze3A_65, %squeeze3A_67, %squeeze3A_69, %squeeze3A_71, %squeeze3A_73, %squeeze3A_75, %squeeze3A_77, %squeeze3A_79, %squeeze3A_81, %squeeze3A_83, %squeeze3A_85, %squeeze3A_87, %squeeze3A_89, %squeeze3A_91 in 1 : vector<28x128xf32>, vector<28x128xf32>, vector<28x128xf32>, vector<28x128xf32>, vector<28x128xf32>, vector<28x128xf32>, vector<28x128xf32>, vector<28x128xf32>, vector<28x128xf32>, vector<28x128xf32>, vector<28x128xf32>, vector<28x128xf32>, vector<28x128xf32>, vector<28x128xf32>, vector<28x128xf32>, vector<28x128xf32>, vector<28x128xf32>, vector<28x128xf32>, vector<28x128xf32>, vector<28x128xf32>, vector<28x128xf32>, vector<28x128xf32>, vector<28x128xf32>, vector<28x128xf32>, vector<28x128xf32>, vector<28x128xf32>, vector<28x128xf32>, vector<28x128xf32>, vector<28x128xf32>, vector<28x128xf32>, vector<28x128xf32>, vector<28x128xf32>, vector<28x128xf32>, vector<28x128xf32>, vector<28x128xf32>, vector<28x128xf32>, vector<28x128xf32>, vector<28x128xf32>, vector<28x128xf32>, vector<28x128xf32> -> vector<28x5120xf32>
    %dot_general3A = arith.constant dense<0.000000e+00> : vector<5120x128xf32>
    %dot_general3A_92 = tpu.matmul %concatenate3A, %get3A_1, %dot_general3A {dimension_numbers = #tpu.dot_dimension_numbers<[0], [0], [1], [1], [0, 1, 1, 1], [], []>, transpose_lhs_hint = true} : vector<28x5120xf32>, vector<28x128xf32>, vector<5120x128xf32> -> vector<5120x128xf32>
    %swap3A = arith.constant 0 : index
    %swap3A_93 = arith.constant 0 : index
    %swap3A_94 = vector.load %arg3[%swap3A, %swap3A_93] : memref<5120x128xf32, #tpu.memory_space<vmem>>, vector<5120x128xf32>
    tpu.vector_store %arg3[%swap3A, %swap3A_93], %dot_general3A_92 {strides = array<i32>} : memref<5120x128xf32, #tpu.memory_space<vmem>>, vector<5120x128xf32>,
    return
  }
  func.func @transform_0(%arg0: i32) -> (i32, i32, i32, i32) {
    %c0_i32 = arith.constant 0 : i32
    %c0_i32_0 = arith.constant 0 : i32
    %c0_i32_1 = arith.constant 0 : i32
    %c0_i32_2 = arith.constant 0 : i32
    return %c0_i32, %c0_i32_0, %arg0, %c0_i32_1 : i32, i32, i32, i32
  }
  func.func @transform_1(%arg0: i32) -> (i32, i32) {
    %c0_i32 = arith.constant 0 : i32
    %c0_i32_0 = arith.constant 0 : i32
    %c0_i32_1 = arith.constant 0 : i32
    return %c0_i32, %c0_i32_0 : i32, i32
  }
  func.func @transform_2(%arg0: i32) -> (i32, i32) {
    %c0_i32 = arith.constant 0 : i32
    %c0_i32_0 = arith.constant 0 : i32
    return %arg0, %c0_i32 : i32, i32
  }
}

</mosaic_0001>

<sc_bundles>
// kernel: kernel.4.cloned.1.call-start
scs
__scs_entry_jumppad:
0x0: {  	(pc) =	sbr.rel $0x88, $3  }
0x1: {  	(tag) =	ssettag $0x0;
	lr =	simm.s32 $0x1  }
0x2: {  	[smem:$0x3F9E] =	sst lr;
	_ =	strace $0xD0000000  }
0x3: {  	_ = 	snop  }
0x4: {  	_ = 	snop  }
0x5: {  	_ = 	snop  }
0x6: {  	_ = 	snop  }
0x7: {  	_ = 	snop  }
__scs_overlays_trampoline_lowered:
0x8: {  	[smem:$0x3FAD] =	sst s0  }
0x9: {  	[smem:$0x3FAE] =	sst s1  }
0xa: {  	[smem:$0x3FAF] =	sst s2  }
0xb: {  	[smem:$0x3FB0] =	sst s3  }
0xc: {  	[smem:$0x3FB1] =	sst s4  }
0xd: {  	[smem:$0x3FB2] =	sst s5  }
0xe: {  	[smem:$0x3FB3] =	sst s6  }
0xf: {  	[smem:$0x3FB4] =	sst s7  }
0x10: {  	[smem:$0x3FB5] =	sst s8  }
0x11: {  	[smem:$0x3FB6] =	sst s9;
	s0 =	simm.s32 @!p0 $0x0  }
0x12: {  	s1 =	sld [smem:$0x3F9C];
	s0 =	simm.s32 @p0 $0x1  }
0x13: {  	[smem:$0x3FB7] =	sst s0;
	s0 =	simm.s32 @!p1 $0x0  }
0x14: {  	s2 =	sld [smem:$0x3F9B];
	s0 =	simm.s32 @p1 $0x1  }
0x15: {  	[smem:$0x3FB8] =	sst s0;
	s0 =	simm.s32 @!p2 $0x0  }
0x16: {  	s3 =	sld [smem:$0x3FDB];
	s0 =	simm.s32 @p2 $0x1  }
0x17: {  	s4 =	simm.s32 $0x1BF5;
	[smem:$0x3FBA] =	sst s0  }
0x18: {  	s0 =	sld [smem:$0x3F9D];
	_ =	swait.ge [sflag:s4], $0x0  }
0x19: {  	s7 =	sld [smem:$0x3F9E]  }
0x1a: {  	s8 =	sadd.s32 $0xFFFFE003, lr  }
0x1b: {  	s9 =	sadd.s32 $0xFFFFFEF7, lr;
	s5 =	simm.s32 $0xFFFFFFFF;
	p2 =	slt.u32 s8, $0xFFFFF086  }
0x1c: {  	p1 =	slt.u32 s9, $0xF7A;
	s5 =	simm.s32 @!p2 $0x0  }
0x1d: {  	s5 =	simm.s32 @p1 $0x1;
	p0 =	seq.s32 s7, s2  }
0x1e: {  	s7 =	smul.u32 @!p0 $0xF7A, s2;
	p2 =	seq.s32 @!p0 s5, $0x0  }
0x1f: {  	s9 =	smul.u32 $0xF7A, s1;
	s8 =	simm.s32 @!p0 $0x1BF5;
	p2 =	por !p2, p0  }
0x20: {  	[sflag:s8] =	ssyncset.s32 @!p0 $0xFFFFF086;
	s6 =	sadd.s32 @!p0 s3, s7;
	s7 =	simm.s32 @!p0 $0x108  }
0x21: {  	s3 =	sadd.s32 s3, s9;
	s6 =	sadd.s32 @!p0 $0x88, s6;
	s7 =	simm.s32 @p2 $0x1082  }
0x22: {  	[simem:s7], [sflag:s8] =	dma.local @!p0 [hbm:s6], $0xF7A  }
0x23: {  	s9 =	sor.u32 $0xD0000000, s2;
	s6 =	simm.s32 $0x108;
	_ =	swait.ge @!p0 [sflag:s8], $0x0  }
0x24: {  	s3 =	sadd.s32 $0x88, s3;
	s6 =	simm.s32 @!p1 $0x1082;
	[sflag:s4] =	ssyncset.s32 $0xFFFFF086  }
0x25: {  	[simem:s6], [sflag:s4] =	dma.local [hbm:s3], $0xF7A  }
0x26: {  	[smem:$0x3F9E] =	sst s1;
	(tag) =	ssettag s2;
	_ =	strace s9  }
0x27: {  	s1 =	sld [smem:$0x3FAE]  }
0x28: {  	s2 =	sld [smem:$0x3FAF]  }
0x29: {  	s4 =	sld [smem:$0x3FB1]  }
0x2a: {  	p0 =	seq.s32 s5, $0x0;
	s5 =	sld [smem:$0x3FB2]  }
0x2b: {  	s6 =	sld [smem:$0x3FB3]  }
0x2c: {  	s7 =	sld [smem:$0x3FB4]  }
0x2d: {  	s3 =	simm.s32 $0x108;
	s8 =	sld [smem:$0x3FB5]  }
0x2e: {  	s3 =	simm.s32 @!p0 $0x1082;
	s9 =	sld [smem:$0x3FB6]  }
0x2f: {  	lr =	sadd.s32 s0, s3;
	s0 =	sld [smem:$0x3FAD]  }
0x30: {  	s3 =	sld [smem:$0x3FB0]  }
0x31: {  	[smem:$0x3FB9] =	sst s10  }
0x32: {  	s10 =	sld [smem:$0x3FB7];
	_ =	sdelay $0x3  }
0x33: {  	p0 =	seq.s32 s10, $0x1;
	s10 =	sld [smem:$0x3FB9];
	_ =	sdelay $0x3  }
0x34: {  	[smem:$0x3FB9] =	sst s10  }
0x35: {  	s10 =	sld [smem:$0x3FB8];
	_ =	sdelay $0x3  }
0x36: {  	p1 =	seq.s32 s10, $0x1;
	s10 =	sld [smem:$0x3FB9];
	_ =	sdelay $0x3  }
0x37: {  	[smem:$0x3FB9] =	sst s10  }
0x38: {  	s10 =	sld [smem:$0x3FBA]  }
0x39: {  	_ = 	snop;
	(pc) =	sbr.ind lr, $3  }
0x3a: {  	_ = 	snop  }
0x3b: {  	_ = 	snop  }
0x3c: {  	p2 =	seq.s32 s10, $0x1;
	s10 =	sld [smem:$0x3FB9]  }
0x3d: {  	_ =	shalt  }
0x3e: {  	_ =	shalt  }
0x3f: {  	_ =	shalt  }
0x40: {  	_ =	shalt  }
0x41: {  	_ =	shalt  }
0x42: {  	_ =	shalt  }
0x43: {  	_ =	shalt  }
0x44: {  	_ =	shalt  }
0x45: {  	_ =	shalt  }
0x46: {  	_ =	shalt  }
0x47: {  	_ =	shalt  }
0x48: {  	_ =	shalt  }
0x49: {  	_ =	shalt  }
0x4a: {  	_ =	shalt  }
0x4b: {  	_ =	shalt  }
0x4c: {  	_ =	shalt  }
0x4d: {  	_ =	shalt  }
0x4e: {  	_ =	shalt  }
0x4f: {  	_ =	shalt  }
0x50: {  	_ =	shalt  }
0x51: {  	_ =	shalt  }
0x52: {  	_ =	shalt  }
0x53: {  	_ =	shalt  }
0x54: {  	_ =	shalt  }
0x55: {  	_ =	shalt  }
0x56: {  	_ =	shalt  }
0x57: {  	_ =	shalt  }
0x58: {  	_ =	shalt  }
0x59: {  	_ =	shalt  }
0x5a: {  	_ =	shalt  }
0x5b: {  	_ =	shalt  }
0x5c: {  	_ =	shalt  }
0x5d: {  	_ =	shalt  }
0x5e: {  	_ =	shalt  }
0x5f: {  	_ =	shalt  }
0x60: {  	_ =	shalt  }
0x61: {  	_ =	shalt  }
0x62: {  	_ =	shalt  }
0x63: {  	_ =	shalt  }
0x64: {  	_ =	shalt  }
0x65: {  	_ =	shalt  }
0x66: {  	_ =	shalt  }
0x67: {  	_ =	shalt  }
0x68: {  	_ =	shalt  }
0x69: {  	_ =	shalt  }
0x6a: {  	_ =	shalt  }
0x6b: {  	_ =	shalt  }
0x6c: {  	_ =	shalt  }
0x6d: {  	_ =	shalt  }
0x6e: {  	_ =	shalt  }
0x6f: {  	_ =	shalt  }
0x70: {  	_ =	shalt  }
0x71: {  	_ =	shalt  }
0x72: {  	_ =	shalt  }
0x73: {  	_ =	shalt  }
0x74: {  	_ =	shalt  }
0x75: {  	_ =	shalt  }
0x76: {  	_ =	shalt  }
0x77: {  	_ =	shalt  }
0x78: {  	_ =	shalt  }
0x79: {  	_ =	shalt  }
0x7a: {  	_ =	shalt  }
0x7b: {  	_ =	shalt  }
0x7c: {  	_ =	shalt  }
0x7d: {  	_ =	shalt  }
0x7e: {  	_ =	shalt  }
0x7f: {  	_ =	shalt  }
0x80: {  	_ =	shalt  }
0x81: {  	_ =	shalt  }
0x82: {  	_ =	shalt  }
0x83: {  	_ =	shalt  }
0x84: {  	_ =	shalt  }
0x85: {  	_ =	shalt  }
0x86: {  	_ =	shalt  }
0x87: {  	_ =	shalt  }
.Lfunc_end0:
.L_simem_size_0:
called_computation_lowered:
.L_overlay_start_0:
0x88: {  	s2 =	sld [smem:$0x3FD9]  }
0x89: {  	s3 =	sld [smem:$0x3FFE];
	_ =	sdelay $0x1  }
0x8a: {  	s1 =	srdreg.scid  }
0x8b: {  	s0 =	sand.u32 $0x1, s1  }
0x8c: {  	s18 =	sshll.u32 s0, $0xA;
	s2 =	sadd.s32 s3, s2  }
0x8d: {  	s2 =	sadd.s32 s2, s18  }
0x8e: {  	[smem:$0x3FC5] =	sst s2  }
0x8f: {  	_ = 	snop  }
0x90: {  	s2 =	sld [smem:$0x3FC9]  }
0x91: {  	s19 =	sld [smem:$0x3FC8]  }
0x92: {  	s4 =	sld [smem:$0x3FD0];
	(tm) =	ssettm $0x1  }
0x93: {  	s5 =	sld [smem:$0x3FFB];
	_ =	sdelay $0x3  }
0x94: {  	_ =	strace s5  }
0x95: {  	s5 =	sld [smem:$0x3FFC];
	_ =	sdelay $0x3  }
0x96: {  	_ =	strace s5  }
0x97: {  	s5 =	sld [smem:$0x3FFD];
	_ =	sdelay $0x3  }
0x98: {  	_ =	strace s5  }
0x99: {  	_ =	strace $0x8FFFFFFF  }
0x9a: {  	s20 =	sld [smem:$0x3FDB];
	_ =	sdelay $0x1  }
0x9b: {  	s6 =	simm.s32 $_scs_section_size  }
0x9c: {  	s7 =	simm.s32 $_size__tile_overlayer_lowered;
	s8 =	simm.s32 $_tile_overlayer_lowered  }
0x9d: {  	s23 =	simm.s32 $0x1BFF;
	s22 =	sshll.u32 s8, $0x1;
	s5 =	sadd.s32 s6, s20  }
0x9e: {  	s9 =	simm.s32 $0x0;
	s21 =	sshll.u32 s7, $0x1;
	s7 =	sadd.s32 s22, s5  }
0x9f: {  	[timem:s9], [sflag:s23] =	dma.local [hbm:s7], s21  }
0xa0: {  	_ =	swait.ge [sflag:s23], s21  }
0xa1: {  	s6 =	ssub.s32 $0x0, s21;
	[sflag:s23] =	ssyncset.done $0x0  }
0xa2: {  	[sflag:s23] =	ssyncadd.s32 s6;
	_ =	sdelay $0x1  }
0xa3: {  	s24 =	simm.s32 $0x1B8B  }
0xa4: {  	_ =	swait.ge [sflag:s24], $0x1  }
0xa5: {  	[sflag:s24] =	ssyncset.done $0x0  }
0xa6: {  	s25 =	simm.s32 $0x1B8E;
	[sflag:s24] =	ssyncadd.s32 $0xFFFFFFFF  }
0xa7: {  	s26 =	simm.s32 $execute0_lowered;
	[smem:$0x3FD2] =	sst s25  }
0xa8: {  	s6 =	sshll.u32 s26, $0x1;
	_ =	strace $0x80000046;
	[dreg:$0x1] =	wrdreg $0xFFFFFFFF  }
0xa9: {  	s28 =	simm.s32 $_size_execute0_lowered;
	s5 =	sadd.s32 s5, s6;
	[dreg:$0x0] =	wrdreg $0x0  }
0xaa: {  	s6 =	sshll.u32 s28, $0x1;
	[dreg:$0x2] =	wrdreg s5  }
0xab: {  	[dreg:$0x3] =	wrdreg s6  }
0xac: {  	[dreg:$0x4] =	wrdreg $0xC0  }
0xad: {  	_ =	task [dreg:s9], $0x5FFFF  }
0xae: {  	[dreg:$0x1] =	wrdreg $0xFFFFFFFF  }
0xaf: {  	[dreg:$0x0] =	wrdreg $0x60  }
0xb0: {  	[dreg:$0x2] =	wrdreg s2  }
0xb1: {  	[dreg:$0x3] =	wrdreg s19  }
0xb2: {  	[dreg:$0x4] =	wrdreg s4  }
0xb3: {  	[dreg:$0x5] =	wrdreg $0xE5000  }
0xb4: {  	[dreg:$0x6] =	wrdreg $0x9  }
0xb5: {  	_ =	task.clear_ibuf [dreg:s9], $0x7FFFF;
	_ =	strace $0x90000046  }
0xb6: {  	s29 =	simm.s32 $0x9;
	_ =	strace $0x80000048  }
0xb7: {  	_ =	swait.ge [sflag:s29], $0x1  }
0xb8: {  	[sflag:s29] =	ssyncadd.s32 $0xFFFFFFFF  }
0xb9: {  	_ =	strace $0x90000048  }
0xba: {  	_ =	sfence  }
0xbb: {  	s30 =	sld [smem:$0x0];
	_ =	sdelay $0x2  }
0xbc: {  	s31 =	sshll.u32 s1, $0xD;
	s1 =	sshrl.u32 s1, $0x2  }
0xbd: {  	s3 =	sand.u32 $0x4000, s31;
	s1 =	sadd.s32 s1, s30  }
0xbe: {  	s0 =	sor.u32 s3, s0;
	s1 =	sshll.u32 s1, $0x11  }
0xbf: {  	s0 =	sor.u32 s1, s0  }
0xc0: {  	s0 =	sadd.s32 $0x8F2B, s0  }
0xc1: {  	[sflag:s0] =	ssyncadd.remote.s32 $0x1  }
0xc2: {  	_ =	sfence.sel $0xFFFF  }
0xc3: {  	[dreg:$0x0] =	wrdreg $0xFFFFFFFF;
	(pc) =	sbr.abs _section_cstart, $3  }
0xc4: {  	[dreg:$0x1] =	wrdreg $0xFFFFFFFF  }
0xc5: {  	_ =	task.clear_ibuf [dreg:s9], $0x2FFFF;
	_ =	strace $0x9FFFFFFF  }
0xc6: {  	(tm) =	ssettm $0x7FFFFFFF  }
0xc7: {  	_ =	shalt  }
tec
execute0_lowered:
.L_overlay_start_1:
0x0: {  	(tag) =	ssettag $0x1  }
0x1: {  	s0 =	rddreg [dreg:$0x0]  }
0x2: {  	s6 =	rddreg [dreg:$0x1]  }
0x3: {  	s8 =	rddreg [dreg:$0x2]  }
0x4: {  	s1 =	srdreg.scid;
	s3 =	rddreg [dreg:$0x3]  }
0x5: {  	s4 =	simm.s32 $0x0;
	s13 =	simm.s32 $0x7580;
	s14 =	simm.s32 $0x9F00  }
0x6: {  	s15 =	simm.s32 $0x1;
	s16 =	simm.s32 $0x2;
	s17 =	simm.s32 $0x80  }
0x7: {  	s18 =	simm.s32 $0x9E80;
	s20 =	simm.s32 $0x3;
	s21 =	simm.s32 $0x4  }
0x8: {  	s22 =	simm.s32 $0xC200;
	s5 =	sand.u32 $0x1, s1;
	s1 =	stileid.u32  }
0x9: {  	s23 =	simm.s32 $0x0;
	[smem:$0x7FF] =	sst s4;
	s10 =	smul.u32 $0x4600, s1  }
0xa: {  	s2 =	sshll.u32 s5, $0x4;
	s9 =	ssub.s32 $0x2, s5;
	s12 =	smul.u32 $0x46000, s5  }
0xb: {  	s29 =	sshll.u32 s1, $0x5;
	s19 =	sor.u32 s1, s2;
	s2 =	rddreg [dreg:$0x4]  }
0xc: {  	s11 =	sshrl.u32 s9, $0x1;
	_ =	strace $0x80000047;
	s30 =	sand.u32 $0x60, s29  }
0xd: {  	s7 =	smul.u32 $0x9C0, s19;
	s11 =	ssub.s32 s9, s11;
	s31 =	sadd.s32 s10, s12  }
0xe: {  	s12 =	simm.s32 $0x2780;
	p0 =	sgt.u32 s19, $0x3;
	s19 =	simm.s32 $0x9D80  }
0xf: {  	s9 =	sshrl.u32 s31, $0x3;
	s11 =	smax.u32 s11, $0x1;
	s5 =	sadd.s32 s6, s7  }
0x10: {  	s7 =	sadd.s32 s30, s6;
	s6 =	sadd.s32 s10, s3;
	s8 =	sadd.s32 s8, s9  }
0x11: {  	v0 =	vimm.f32 $0.0e+00;
	v1 =	vimm.f32 $1.000000000e+00;
	s7 =	sadd.s32 $0x13800, s7;
	s9 =	sadd.s32 $0x2300, s6;
	s10 =	sadd.s32 $0x460, s8  }
.LBB2_1:
0x12: {  	[tilespmem:s4], [sflag:$0x1] =	stream.linear.gather [hbm4b:s0+s4], $0x2780, $0x38;
	[tilespmem:$0x12B00] =	vst v63  }
0x13: {  	_ = 	snop  }
0x14: {  	[tilespmem:s12], [sflag:$0x1] =	stream.linear.gather [hbm4b:s5+s4], $0x4E00, $0x38;
	[tilespmem:$0x12B00] =	vst v63  }
0x15: {  	s25 =	simm.s32 $0x100;
	s24 =	simm.s32 $0x0  }
0x16: {  	[tilespmem:s13], [sflag:$0x1] =	stream.linear.gather [hbm4b:s7+s4], $0x100, $0x38;
	[tilespmem:$0x12B00] =	vst v63  }
.LBB2_2:
0x17: {  	p1 =	sne.s32 s25, $0x11700;
	[tilespmem:s24+$0x9F30] =	vst v0;
	s26 =	smov.u32 s25;
	s25 =	sadd.s32 $0x100, s25  }
.Ltmp0:
0x18: {  	[tilespmem:s24+$0x9F20] =	vst v0;
	(pc) =	sbr.rel @p1 .LBB2_2-.Ltmp0, $3  }
0x19: {  	[tilespmem:s24+$0x9F00] =	vst v0  }
0x1a: {  	[tilespmem:s24+$0x9F10] =	vst v0;
	_ =	sdelay $0x1  }
0x1b: {  	s24 =	sshra.s32 s26, $0x2  }
0x1c: {  	[tilespmem:s24+$0x9F30] =	vst v0  }
0x1d: {  	[tilespmem:s24+$0x9F20] =	vst v0  }
0x1e: {  	[tilespmem:s24+$0x9F00] =	vst v0  }
0x1f: {  	[tilespmem:s24+$0x9F10] =	vst v0  }
0x20: {  	[spmem:s6] =	stream.linear.scatter [tilespmem:s14], [sflag:$0x2], $0x4600, $0x38;
	[tilespmem:$0x12B00] =	vst v63  }
0x21: {  	[tilespmem:$0x9E80] =	vst v1  }
0x22: {  	[tilespmem:$0x9E90] =	vst v1  }
0x23: {  	[tilespmem:$0x9EA0] =	vst v1  }
0x24: {  	[tilespmem:$0x9EB0] =	vst v1  }
0x25: {  	[tilespmem:$0x9EC0] =	vst v1  }
0x26: {  	[tilespmem:$0x9ED0] =	vst v1  }
0x27: {  	[tilespmem:$0x9EE0] =	vst v1  }
0x28: {  	[tilespmem:$0x9EF0] =	vst v1  }
0x29: {  	_ =	swait.ge [sflag:s15], $0x2780  }
0x2a: {  	[sflag:s15] =	ssyncset.done $0x0  }
0x2b: {  	[sflag:s15] =	ssyncadd.s32 $0xFFFFD880  }
0x2c: {  	_ =	swait.ge [sflag:s15], $0x4E00  }
0x2d: {  	[sflag:s15] =	ssyncset.done $0x0  }
0x2e: {  	[sflag:s15] =	ssyncadd.s32 $0xFFFFB200  }
0x2f: {  	_ =	swait.ge [sflag:s15], $0x100  }
0x30: {  	[sflag:s15] =	ssyncset.done $0x0  }
0x31: {  	[sflag:s15] =	ssyncadd.s32 $0xFFFFFF00  }
0x32: {  	_ =	swait.ge [sflag:s16], $0x4600  }
0x33: {  	[sflag:s16] =	ssyncset.done $0x0  }
0x34: {  	[sflag:s16] =	ssyncadd.s32 $0xFFFFBA00  }
0x35: {  	s24 =	simm.s32 $0x0;
	s25 =	simm.s32 $0x2800;
	[bflag:$0x0] =	sbarrier.arrive $0xFFFF  }
.LBB2_4:
0x36: {  	v2 =	vld [tilespmem:s25+$0xFFFFFF80];
	_ =	sdelay $0x7  }
0x37: {  	v2 =	vld.idx.msk [tilespmem:v2+s4+$0x0], $0xffff;
	_ =	sdelay $0x1  }
0x38: {  	v3 =	vld [tilespmem:s25+$0x0];
	_ =	sdelay $0x2  }
0x39: {  	v2 =	vmul.u32 $0x2800, v2;
	_ =	sdelay $0x1  }
0x3a: {  	s26 =	sshra.s32 s24, $0x2;
	v2 =	vadd.s32 v3, v2  }
0x3b: {  	[tilespmem:s26+$0x7680] =	vst v2  }
0x3c: {  	v2 =	vld [tilespmem:s25+$0xFFFFFF90];
	_ =	sdelay $0x7  }
0x3d: {  	v2 =	vld.idx.msk [tilespmem:v2+s4+$0x0], $0xffff;
	_ =	sdelay $0x1  }
0x3e: {  	v3 =	vld [tilespmem:s25+$0x10];
	_ =	sdelay $0x2  }
0x3f: {  	v2 =	vmul.u32 $0x2800, v2;
	_ =	sdelay $0x1  }
0x40: {  	v2 =	vadd.s32 v3, v2  }
0x41: {  	[tilespmem:s26+$0x7690] =	vst v2  }
0x42: {  	v2 =	vld [tilespmem:s25+$0xFFFFFFA0];
	_ =	sdelay $0x7  }
0x43: {  	v2 =	vld.idx.msk [tilespmem:v2+s4+$0x0], $0xffff;
	_ =	sdelay $0x1  }
0x44: {  	v3 =	vld [tilespmem:s25+$0x20];
	_ =	sdelay $0x2  }
0x45: {  	v2 =	vmul.u32 $0x2800, v2;
	_ =	sdelay $0x1  }
0x46: {  	v2 =	vadd.s32 v3, v2  }
0x47: {  	[tilespmem:s26+$0x76A0] =	vst v2  }
0x48: {  	v2 =	vld [tilespmem:s25+$0xFFFFFFB0];
	_ =	sdelay $0x7  }
0x49: {  	v2 =	vld.idx.msk [tilespmem:v2+s4+$0x0], $0xffff;
	_ =	sdelay $0x1  }
0x4a: {  	v3 =	vld [tilespmem:s25+$0x30];
	_ =	sdelay $0x2  }
0x4b: {  	v2 =	vmul.u32 $0x2800, v2;
	_ =	sdelay $0x1  }
0x4c: {  	v2 =	vadd.s32 v3, v2  }
0x4d: {  	[tilespmem:s26+$0x76B0] =	vst v2  }
0x4e: {  	v2 =	vld [tilespmem:s25+$0xFFFFFFC0];
	_ =	sdelay $0x7  }
0x4f: {  	v2 =	vld.idx.msk [tilespmem:v2+s4+$0x0], $0xffff;
	_ =	sdelay $0x1  }
0x50: {  	v3 =	vld [tilespmem:s25+$0x40];
	_ =	sdelay $0x2  }
0x51: {  	v2 =	vmul.u32 $0x2800, v2;
	_ =	sdelay $0x1  }
0x52: {  	v2 =	vadd.s32 v3, v2  }
0x53: {  	[tilespmem:s26+$0x76C0] =	vst v2  }
0x54: {  	v2 =	vld [tilespmem:s25+$0xFFFFFFD0];
	_ =	sdelay $0x7  }
0x55: {  	v2 =	vld.idx.msk [tilespmem:v2+s4+$0x0], $0xffff;
	_ =	sdelay $0x1  }
0x56: {  	v3 =	vld [tilespmem:s25+$0x50];
	_ =	sdelay $0x2  }
0x57: {  	v2 =	vmul.u32 $0x2800, v2;
	_ =	sdelay $0x1  }
0x58: {  	v2 =	vadd.s32 v3, v2  }
0x59: {  	[tilespmem:s26+$0x76D0] =	vst v2  }
0x5a: {  	v2 =	vld [tilespmem:s25+$0xFFFFFFE0];
	_ =	sdelay $0x7  }
0x5b: {  	v2 =	vld.idx.msk [tilespmem:v2+s4+$0x0], $0xffff;
	_ =	sdelay $0x1  }
0x5c: {  	v3 =	vld [tilespmem:s25+$0x60];
	_ =	sdelay $0x2  }
0x5d: {  	v2 =	vmul.u32 $0x2800, v2;
	_ =	sdelay $0x1  }
0x5e: {  	v2 =	vadd.s32 v3, v2  }
0x5f: {  	[tilespmem:s26+$0x76E0] =	vst v2  }
0x60: {  	v2 =	vld [tilespmem:s25+$0xFFFFFFF0];
	_ =	sdelay $0x7  }
0x61: {  	v2 =	vld.idx.msk [tilespmem:v2+s4+$0x0], $0xffff;
	_ =	sdelay $0x1  }
0x62: {  	v3 =	vld [tilespmem:s25+$0x70];
	_ =	sdelay $0x1  }
0x63: {  	p1 =	sne.s32 s24, $0x9A00  }
.Ltmp1:
0x64: {  	v2 =	vmul.u32 $0x2800, v2;
	(pc) =	sbr.rel @p1 .LBB2_4-.Ltmp1, $4  }
0x65: {  	_ = 	snop  }
0x66: {  	v2 =	vadd.s32 v3, v2  }
0x67: {  	s24 =	sadd.s32 $0x200, s24;
	s28 =	sadd.s32 $0x7680, s26;
	s25 =	sadd.s32 $0x100, s25;
	[tilespmem:s26+$0x76F0] =	vst v2  }
0x68: {  	[spmem:s3] =	stream.indirect.scatter.add.f32 [tilespmem:s18], [sflag:$0x3], $0x1, s28, s17, $0xb8;
	[tilespmem:$0x12B00] =	vst v63  }
0x69: {  	v2 =	vld [tilespmem:$0x7580];
	_ =	sdelay $0x7  }
0x6a: {  	v2 =	vld.idx.msk [tilespmem:v2+s4+$0x0], $0xffff  }
0x6b: {  	v3 =	vld [tilespmem:$0x7600]  }
0x6c: {  	v4 =	vld [tilespmem:$0x7590];
	_ =	sdelay $0x2  }
0x6d: {  	v2 =	vmul.u32 $0x2800, v2;
	_ =	sdelay $0x1  }
0x6e: {  	v2 =	vadd.s32 v3, v2  }
0x6f: {  	v2 =	vpsel p0, $0x2710, v2  }
0x70: {  	[tilespmem:$0x9D80] =	vst v2  }
0x71: {  	v2 =	vld.idx.msk [tilespmem:v4+s4+$0x0], $0xffff  }
0x72: {  	v58 =	vld [tilespmem:$0x75A0]  }
0x73: {  	v3 =	vld [tilespmem:$0x7610];
	_ =	sdelay $0x2  }
0x74: {  	v2 =	vmul.u32 $0x2800, v2;
	_ =	sdelay $0x1  }
0x75: {  	v2 =	vadd.s32 v3, v2  }
0x76: {  	v2 =	vpsel p0, $0x2710, v2  }
0x77: {  	[tilespmem:$0x9D90] =	vst v2  }
0x78: {  	v2 =	vld.idx.msk [tilespmem:v58+s4+$0x0], $0xffff  }
0x79: {  	v59 =	vld [tilespmem:$0x75B0]  }
0x7a: {  	v3 =	vld [tilespmem:$0x7620];
	_ =	sdelay $0x2  }
0x7b: {  	v2 =	vmul.u32 $0x2800, v2;
	_ =	sdelay $0x1  }
0x7c: {  	v2 =	vadd.s32 v3, v2  }
0x7d: {  	v2 =	vpsel p0, $0x2710, v2  }
0x7e: {  	[tilespmem:$0x9DA0] =	vst v2  }
0x7f: {  	v2 =	vld.idx.msk [tilespmem:v59+s4+$0x0], $0xffff  }
0x80: {  	v60 =	vld [tilespmem:$0x75C0]  }
0x81: {  	v3 =	vld [tilespmem:$0x7630];
	_ =	sdelay $0x2  }
0x82: {  	v2 =	vmul.u32 $0x2800, v2;
	_ =	sdelay $0x1  }
0x83: {  	v2 =	vadd.s32 v3, v2  }
0x84: {  	v2 =	vpsel p0, $0x2710, v2  }
0x85: {  	[tilespmem:$0x9DB0] =	vst v2  }
0x86: {  	v2 =	vld.idx.msk [tilespmem:v60+s4+$0x0], $0xffff  }
0x87: {  	v61 =	vld [tilespmem:$0x75D0]  }
0x88: {  	v3 =	vld [tilespmem:$0x7640];
	_ =	sdelay $0x2  }
0x89: {  	v2 =	vmul.u32 $0x2800, v2;
	_ =	sdelay $0x1  }
0x8a: {  	v2 =	vadd.s32 v3, v2  }
0x8b: {  	v2 =	vpsel p0, $0x2710, v2  }
0x8c: {  	[tilespmem:$0x9DC0] =	vst v2  }
0x8d: {  	v2 =	vld.idx.msk [tilespmem:v61+s4+$0x0], $0xffff  }
0x8e: {  	v62 =	vld [tilespmem:$0x75E0]  }
0x8f: {  	v3 =	vld [tilespmem:$0x7650];
	_ =	sdelay $0x2  }
0x90: {  	v2 =	vmul.u32 $0x2800, v2;
	_ =	sdelay $0x1  }
0x91: {  	v2 =	vadd.s32 v3, v2  }
0x92: {  	v2 =	vpsel p0, $0x2710, v2  }
0x93: {  	[tilespmem:$0x9DD0] =	vst v2  }
0x94: {  	v2 =	vld.idx.msk [tilespmem:v62+s4+$0x0], $0xffff  }
0x95: {  	v63 =	vld [tilespmem:$0x75F0]  }
0x96: {  	v3 =	vld [tilespmem:$0x7660];
	_ =	sdelay $0x2  }
0x97: {  	v2 =	vmul.u32 $0x2800, v2;
	_ =	sdelay $0x1  }
0x98: {  	v2 =	vadd.s32 v3, v2  }
0x99: {  	v2 =	vpsel p0, $0x2710, v2  }
0x9a: {  	[tilespmem:$0x9DE0] =	vst v2  }
0x9b: {  	v2 =	vld.idx.msk [tilespmem:v63+s4+$0x0], $0xffff;
	_ =	sdelay $0x1  }
0x9c: {  	v3 =	vld [tilespmem:$0x7670];
	_ =	sdelay $0x2  }
0x9d: {  	v2 =	vmul.u32 $0x2800, v2;
	_ =	sdelay $0x1  }
0x9e: {  	v2 =	vadd.s32 v3, v2  }
0x9f: {  	v2 =	vpsel p0, $0x2710, v2  }
0xa0: {  	[tilespmem:$0x9DF0] =	vst v2  }
0xa1: {  	[spmem:s3] =	stream.indirect.scatter.add.f32 [tilespmem:s18], [sflag:$0x3], $0x1, s19, s17, $0xb8;
	[tilespmem:$0x12B00] =	vst v63  }
0xa2: {  	_ =	swait.ge [sflag:s20], $0x80  }
0xa3: {  	s24 =	simm.s32 $0x4E;
	[sflag:s20] =	ssyncset.done $0x0  }
.LBB2_6:
0xa4: {  	p1 =	sne.s32 s24, $0x1;
	s24 =	sadd.s32 $0xFFFFFFFF, s24;
	[sflag:s20] =	ssyncadd.s32 $0xFFFFFF80  }
.Ltmp2:
0xa5: {  	(pc) =	sbr.rel @p1 .LBB2_6-.Ltmp2, $3  }
0xa6: {  	_ =	sdelay $0x1  }
0xa7: {  	_ =	swait.ge [sflag:s20], $0x80  }
0xa8: {  	[sflag:s20] =	ssyncset.done $0x0  }
0xa9: {  	[sflag:s20] =	ssyncadd.s32 $0xFFFFFF80  }
0xaa: {  	[bflag:$0x0] =	sbarrier.arrive $0xFFFF  }
0xab: {  	[tilespmem:s14], [sflag:$0x4] =	stream.linear.gather [spmem:s6], $0x2300, $0x38;
	[tilespmem:$0x12B00] =	vst v63  }
0xac: {  	_ =	swait.ge [sflag:s21], $0x2300  }
0xad: {  	[sflag:s21] =	ssyncset.done $0x0  }
0xae: {  	[sflag:s21] =	ssyncadd.s32 $0xFFFFDD00  }
0xaf: {  	[hbm4b:s8+s4] =	stream.linear.scatter [tilespmem:s14], [sflag:$0x1], $0x2300, $0x38;
	[tilespmem:$0x12B00] =	vst v63  }
0xb0: {  	_ = 	snop  }
0xb1: {  	[tilespmem:s22], [sflag:$0x4] =	stream.linear.gather [spmem:s9], $0x2300, $0x38;
	[tilespmem:$0x12B00] =	vst v63  }
0xb2: {  	_ =	swait.ge [sflag:s21], $0x2300  }
0xb3: {  	[sflag:s21] =	ssyncset.done $0x0  }
0xb4: {  	[sflag:s21] =	ssyncadd.s32 $0xFFFFDD00  }
0xb5: {  	s23 =	sadd.s32 $0x1, s23;
	_ =	swait.ge [sflag:s15], $0x2300  }
0xb6: {  	p1 =	sne.s32 s23, s11;
	[sflag:s15] =	ssyncset.done $0x0  }
.Ltmp3:
0xb7: {  	[sflag:s15] =	ssyncadd.s32 $0xFFFFDD00;
	(pc) =	sbr.rel @p1 .LBB2_1-.Ltmp3, $4  }
0xb8: {  	[hbm4b:s10+s4] =	stream.linear.scatter [tilespmem:s22], [sflag:$0x4], $0x2300, $0x38;
	[tilespmem:$0x12B00] =	vst v63  }
0xb9: {  	_ =	swait.ge [sflag:s21], $0x2300  }
0xba: {  	[sflag:s21] =	ssyncset.done $0x0  }
0xbb: {  	[sflag:s21] =	ssyncadd.s32 $0xFFFFDD00  }
0xbc: {  	_ =	sfence.sel $0x180000  }
0xbd: {  	[bflag:$0x0] =	sbarrier.arrive $0xFFFF  }
0xbe: {  	p0 =	sne.s32 s1, $0x0;
	_ =	strace $0x90000047  }
0xbf: {  	s0 =	sadd.s32 @!p0 $0x100000, s2;
	[bflag:$0x2] =	sbarrier.arrive $0xFFFF  }
0xc0: {  	[sflag:s0] =	ssyncadd.tile.s32 @!p0 $0x1;
	_ =	shalt  }
.Lfunc_end2:
_tile_overlayer_lowered:
.L_overlay_start_2:
0xc1: {  	(tag) =	ssettag $0x2  }
0xc2: {  	s0 =	rddreg [dreg:$0x0];
	s2 =	stileid.u32  }
0xc3: {  	s1 =	rddreg [dreg:$0x1];
	p0 =	sne.s32 s2, $0x0  }
0xc4: {  	s3 =	rddreg [dreg:$0x2];
	[bflag:$0x3] =	sbarrier.arrive $0xFFFF;
	s2 =	simm.s32 @!p0 $0x1C04  }
0xc5: {  	[timem:s3], [sflag:s2] =	dma.local @!p0 [hbm:s0], s1  }
0xc6: {  	s0 =	simm.s32 @!p0 $0x4  }
0xc7: {  	_ =	swait.ge @!p0 [sflag:s0], s1  }
0xc8: {  	s1 =	ssub.s32 @!p0 $0x0, s1;
	[sflag:s0] =	ssyncset.done @!p0 $0x0  }
0xc9: {  	[sflag:s0] =	ssyncadd.s32 @!p0 s1  }
0xca: {  	[bflag:$0x3] =	sbarrier.arrive $0xFFFF  }
0xcb: {  	_ =	shalt  }

</sc_bundles>
